<compile_context>
chip_gen: v7x
topology: tpu7x:2x2x1
jax: 0.10.2.dev20260603
libtpu: 0.0.44.dev20260713+nightly
codegen_flags: <defaults>
</compile_context>

<pallas_src>
import functools

import jax
import jax.numpy as jnp
import numpy as np
from jax import lax
from jax.experimental import pallas as pl
from jax.experimental.pallas import tpu as pltpu
from jax.experimental.pallas import tpu_sc as plsc

N = 10000
E = 160000
D = 128
HEAD = 2

CH = 128
E_PAD = 163840
GT = 32
GC = E_PAD // (GT * CH)
ST = 16
SC_CHUNKS = E_PAD // (ST * CH)
NPAD = 10240
NT = NPAD // ST

@functools.lru_cache(maxsize=None)
def _sc_kernels():
    mesh = plsc.VectorSubcoreMesh(
        core_axis_name="c", subcore_axis_name="s",
        num_cores=2, num_subcores=16)

    @functools.partial(
        pl.kernel,
        out_type=(
            jax.ShapeDtypeStruct((E_PAD, D), jnp.float32),
            jax.ShapeDtypeStruct((E_PAD, D), jnp.float32),
        ),
        mesh=mesh,
        scratch_types=[
            pltpu.VMEM((GC, CH), jnp.int32),
            pltpu.VMEM((GC, CH), jnp.int32),
            pltpu.VMEM((CH, D), jnp.float32),
            pltpu.VMEM((CH, D), jnp.float32),
            pltpu.SemaphoreType.DMA,
            pltpu.SemaphoreType.DMA,
        ],
    )
    def gather_xe(x_hbm, src_hbm, dst_hbm, xs_out, xd_out,
                  src_v, dst_v, buf_s, buf_d, sem_s, sem_d):
        wid = lax.axis_index("s") * 2 + lax.axis_index("c")
        base = wid * (GC * CH)
        pltpu.sync_copy(src_hbm.at[wid], src_v)
        pltpu.sync_copy(dst_hbm.at[wid], dst_v)

        def body(j, carry):
            cs = pltpu.async_copy(x_hbm.at[src_v.at[j]], buf_s, sem_s)
            cd = pltpu.async_copy(x_hbm.at[dst_v.at[j]], buf_d, sem_d)
            cs.wait()
            pltpu.sync_copy(buf_s, xs_out.at[pl.ds(base + j * CH, CH)])
            cd.wait()
            pltpu.sync_copy(buf_d, xd_out.at[pl.ds(base + j * CH, CH)])
            return carry

        lax.fori_loop(0, GC, body, 0)

    @functools.partial(
        pl.kernel,
        out_type=jax.ShapeDtypeStruct((HEAD, NPAD, D), jnp.float32),
        mesh=mesh,
        scratch_types=[
            pltpu.VMEM((SC_CHUNKS, CH), jnp.int32),
            pltpu.VMEM((CH, D), jnp.float32),
            pltpu.VMEM_SHARED((NPAD, D), jnp.float32),
            pltpu.SemaphoreType.DMA,
        ],
    )
    def scatter_agg(msg_hbm, dst_hbm, zeros_hbm, out_hbm, idx_v, buf, acc, sem):
        c = lax.axis_index("c")
        s = lax.axis_index("s")
        base = s * (SC_CHUNKS * CH)
        pltpu.sync_copy(zeros_hbm, buf)

        def zbody(i, carry):
            pltpu.sync_copy(buf, acc.at[pl.ds(s * NT + i * CH, CH)])
            return carry

        lax.fori_loop(0, NT // CH, zbody, 0)
        pltpu.sync_copy(dst_hbm.at[s], idx_v)
        plsc.subcore_barrier()

        def body(j, carry):
            pltpu.sync_copy(msg_hbm.at[c, pl.ds(base + j * CH, CH)], buf)
            pltpu.sync_copy(buf, acc.at[idx_v.at[j]], add=True)
            return carry

        lax.fori_loop(0, SC_CHUNKS, body, 0)
        plsc.subcore_barrier()

        def obody(i, carry):
            pltpu.sync_copy(acc.at[pl.ds(s * NT + i * CH, CH)], buf)
            pltpu.sync_copy(buf, out_hbm.at[c, pl.ds(s * NT + i * CH, CH)])
            return carry

        lax.fori_loop(0, NT // CH, obody, 0)

    return gather_xe, scatter_agg


BE = 1024

_SCALE = float(1.0 / np.sqrt(np.float32(2 * D)))


def _ln(v, g, b):
    m = jnp.mean(v, axis=-1, keepdims=True)
    m2 = jnp.mean(v * v, axis=-1, keepdims=True)
    var = m2 - m * m
    return (v - m) * lax.rsqrt(var + 1e-5) * g + b


def _leaky(v):
    return jnp.where(v >= 0, v, 0.01 * v)


def _prep_body(Kv_ref, Ke_ref, Vv_ref, Ve_ref, luW_ref, msgW_ref,
               wxs_ref, wef_ref, wmsg_ref):
    bf = jnp.bfloat16
    f32 = jnp.float32
    for h in range(HEAD):
        wxs_ref[:, h * D:(h + 1) * D] = Kv_ref[h].astype(bf)
        wef_ref[:, h * D:(h + 1) * D] = Ke_ref[h].astype(bf)
        a = jnp.dot(Vv_ref[h], luW_ref[h, :D, :], preferred_element_type=f32)
        b = jnp.dot(Ve_ref[h], luW_ref[h, D:, :], preferred_element_type=f32)
        lo = 2 * D + 2 * h * D
        wxs_ref[:, lo:lo + 2 * D] = a.astype(bf)
        wef_ref[:, lo:lo + 2 * D] = b.astype(bf)
        wmsg_ref[h] = msgW_ref[h].astype(bf)


def _prep_weights(K_v2v, K_e2v, V_v2v, V_e2v, lu_W, msg_W):
    full = lambda shape: pl.BlockSpec(shape, lambda *_: (0,) * len(shape))
    return pl.pallas_call(
        _prep_body,
        in_specs=[
            full((HEAD, D, D)),
            full((HEAD, D, D)),
            full((HEAD, D, D)),
            full((HEAD, D, D)),
            full((HEAD, 2 * D, 2 * D)),
            full((HEAD, 2 * D, D)),
        ],
        out_specs=(full((D, 6 * D)), full((D, 6 * D)), full((HEAD, 2 * D, D))),
        out_shape=(
            jax.ShapeDtypeStruct((D, 6 * D), jnp.bfloat16),
            jax.ShapeDtypeStruct((D, 6 * D), jnp.bfloat16),
            jax.ShapeDtypeStruct((HEAD, 2 * D, D), jnp.bfloat16),
        ),
    )(K_v2v, K_e2v, V_v2v, V_e2v, lu_W, msg_W)


def _edge_body(xs_ref, xd_ref, ef_ref, wxs_ref, wef_ref, wmsg_ref,
               lub_ref, ln1g_ref, ln1b_ref, msgb_ref, ln2g_ref, ln2b_ref,
               out_ref):
    bf = jnp.bfloat16
    f32 = jnp.float32
    xsb = xs_ref[...].astype(bf)
    xdb = xd_ref[...].astype(bf)
    efb = ef_ref[...].astype(bf)
    s = jnp.dot(xsb, wxs_ref[...], preferred_element_type=f32)
    qq = jnp.dot(xdb, wxs_ref[:, :2 * D], preferred_element_type=f32)
    eo = jnp.dot(efb, wef_ref[...], preferred_element_type=f32)
    for h in range(HEAD):
        q = qq[:, h * D:(h + 1) * D]
        k = s[:, h * D:(h + 1) * D]
        ke = eo[:, h * D:(h + 1) * D]
        alpha = jnp.concatenate([q * k, q * ke], axis=1) * _SCALE
        gate = _ln(alpha, ln1g_ref[h:h + 1, :], ln1b_ref[h:h + 1, :])
        gate = 1.0 / (1.0 + jnp.exp(-gate))
        lo = 2 * D + 2 * h * D
        m = (s[:, lo:lo + 2 * D] + eo[:, lo:lo + 2 * D]
             + lub_ref[h:h + 1, :]) * gate
        m = (jnp.dot(m.astype(bf), wmsg_ref[h], preferred_element_type=f32)
             + msgb_ref[h:h + 1, :])
        out_ref[h] = _leaky(_ln(m, ln2g_ref[h:h + 1, :], ln2b_ref[h:h + 1, :]))


def _edge_msgs(xs, xd, ef, wxs, wef, wmsg, lu_b,
               ln1_g, ln1_b, msg_b, ln2_g, ln2_b):
    grid = E_PAD // BE
    full = lambda shape: pl.BlockSpec(shape, lambda i: (0,) * len(shape))
    return pl.pallas_call(
        _edge_body,
        grid=(grid,),
        in_specs=[
            pl.BlockSpec((BE, D), lambda i: (i, 0)),
            pl.BlockSpec((BE, D), lambda i: (i, 0)),
            pl.BlockSpec((BE, D), lambda i: (i, 0)),
            full((D, 6 * D)),
            full((D, 6 * D)),
            full((HEAD, 2 * D, D)),
            full((HEAD, 2 * D)),
            full((HEAD, 2 * D)),
            full((HEAD, 2 * D)),
            full((HEAD, D)),
            full((HEAD, D)),
            full((HEAD, D)),
        ],
        out_specs=pl.BlockSpec((HEAD, BE, D), lambda i: (0, i, 0)),
        out_shape=jax.ShapeDtypeStruct((HEAD, E_PAD, D), jnp.float32),
    )(xs, xd, ef, wxs, wef, wmsg, lu_b, ln1_g, ln1_b, msg_b, ln2_g, ln2_b)


def _final_body(agg_ref, x_ref, catW_ref, catb_ref, bng_ref, bnb_ref, out_ref):
    h0 = agg_ref[0, :N, :]
    h1 = agg_ref[1, :N, :]
    out = (jnp.dot(h0, catW_ref[0], preferred_element_type=jnp.float32)
           + jnp.dot(h1, catW_ref[1], preferred_element_type=jnp.float32)
           + catb_ref[0:1, :])
    mean = jnp.mean(out, axis=0, keepdims=True)
    var = jnp.mean((out - mean) ** 2, axis=0, keepdims=True)
    out = (out - mean) * lax.rsqrt(var + 1e-5) * bng_ref[0:1, :] + bnb_ref[0:1, :]
    out_ref[...] = _leaky(out) + x_ref[...]


def _finalize(agg, x, cat_W, cat_b, bn_g, bn_b):
    full = lambda shape: pl.BlockSpec(shape, lambda *_: (0,) * len(shape))
    return pl.pallas_call(
        _final_body,
        in_specs=[
            full((HEAD, NPAD, D)),
            full((N, D)),
            full((HEAD, D, D)),
            full((1, D)),
            full((1, D)),
            full((1, D)),
        ],
        out_specs=full((N, D)),
        out_shape=jax.ShapeDtypeStruct((N, D), jnp.float32),
    )(agg, x, cat_W.reshape(HEAD, D, D), cat_b.reshape(1, D),
      bn_g.reshape(1, D), bn_b.reshape(1, D))


def kernel(x, edge_index, edge_feature, K_v2v, K_e2v, V_v2v, V_e2v,
           lu_W, lu_b, ln1_g, ln1_b, msg_W, msg_b, ln2_g, ln2_b,
           cat_W, cat_b, bn_g, bn_b):
    pad = E_PAD - E
    src = jnp.concatenate([edge_index[0], jnp.zeros((pad,), jnp.int32)])
    dst = edge_index[1]
    dst_g = jnp.concatenate([dst, jnp.zeros((pad,), jnp.int32)])
    dst_s = jnp.concatenate([dst, jnp.full((pad,), N, jnp.int32)])
    ef = jnp.concatenate(
        [edge_feature, jnp.zeros((pad, D), jnp.float32)], axis=0)

    gather_xe, scatter_agg = _sc_kernels()
    xs, xd = gather_xe(x,
                       src.reshape(GT, GC, CH),
                       dst_g.reshape(GT, GC, CH))
    wxs, wef, wmsg = _prep_weights(K_v2v, K_e2v, V_v2v, V_e2v, lu_W, msg_W)
    msg = _edge_msgs(xs, xd, ef, wxs, wef, wmsg, lu_b,
                     ln1_g, ln1_b, msg_b, ln2_g, ln2_b)
    agg = scatter_agg(msg,
                      dst_s.reshape(ST, SC_CHUNKS, CH),
                      jnp.zeros((CH, D), jnp.float32))
    return _finalize(agg, x, cat_W, cat_b, bn_g, bn_b)

# --- scband reference (transcript-rebuilt; emitter-appended) ---
"""Pipeline reference for scband-qcconv-54254026883837 (READ-ONLY COPY).

The authoritative reference and input builder live on the scoring server;
editing this copy changes nothing except your own understanding.
"""

import jax, jax.numpy as jnp
import numpy as np

N = 10000
E = 160000
IN_SIZE = 128
OUT_SIZE = 128
HEAD = 2


def _xavier(k, shape):
    fan_in, fan_out = shape[-2], shape[-1]
    limit = float(np.sqrt(6.0 / (fan_in + fan_out)))
    return jax.random.uniform(k, shape, minval=-limit, maxval=limit, dtype=jnp.float32)


def setup_inputs(seed: int = 0):
    key = jax.random.key(seed)
    ks = jax.random.split(key, 16)
    inp = {}
    inp["x"] = jax.random.normal(ks[0], (N, IN_SIZE), dtype=jnp.float32)
    inp["edge_index"] = jax.random.randint(ks[1], (2, E), 0, N, dtype=jnp.int32)
    inp["edge_feature"] = jax.random.normal(ks[2], (E, IN_SIZE), dtype=jnp.float32)
    inp["K_v2v"] = _xavier(ks[3], (HEAD, IN_SIZE, OUT_SIZE))
    inp["K_e2v"] = _xavier(ks[4], (HEAD, IN_SIZE, OUT_SIZE))
    inp["V_v2v"] = _xavier(ks[5], (HEAD, IN_SIZE, OUT_SIZE))
    inp["V_e2v"] = _xavier(ks[6], (HEAD, IN_SIZE, OUT_SIZE))
    inp["lu_W"] = _xavier(ks[7], (HEAD, 2 * OUT_SIZE, 2 * OUT_SIZE))
    inp["lu_b"] = jnp.zeros((HEAD, 2 * OUT_SIZE), dtype=jnp.float32)
    inp["ln1_g"] = jnp.ones((HEAD, 2 * OUT_SIZE), dtype=jnp.float32)
    inp["ln1_b"] = jnp.zeros((HEAD, 2 * OUT_SIZE), dtype=jnp.float32)
    inp["msg_W"] = _xavier(ks[8], (HEAD, 2 * OUT_SIZE, OUT_SIZE))
    inp["msg_b"] = jnp.zeros((HEAD, OUT_SIZE), dtype=jnp.float32)
    inp["ln2_g"] = jnp.ones((HEAD, OUT_SIZE), dtype=jnp.float32)
    inp["ln2_b"] = jnp.zeros((HEAD, OUT_SIZE), dtype=jnp.float32)
    inp["cat_W"] = _xavier(ks[9], (OUT_SIZE * HEAD, OUT_SIZE))
    inp["cat_b"] = jnp.zeros((OUT_SIZE,), dtype=jnp.float32)
    inp["bn_g"] = jnp.ones((OUT_SIZE,), dtype=jnp.float32)
    inp["bn_b"] = jnp.zeros((OUT_SIZE,), dtype=jnp.float32)
    return inp


def _layer_norm(v, g, b):
    m = v.mean(axis=-1, keepdims=True)
    var = ((v - m) ** 2).mean(axis=-1, keepdims=True)
    return (v - m) / jnp.sqrt(var + 1e-5) * g + b


def _leaky_relu(v):
    return jnp.where(v >= 0, v, 0.01 * v)


def reference(x, edge_index, edge_feature, K_v2v, K_e2v, V_v2v, V_e2v, lu_W, lu_b, ln1_g, ln1_b, msg_W, msg_b, ln2_g, ln2_b, cat_W, cat_b, bn_g, bn_b):
    src = edge_index[0]
    dst = edge_index[1]
    n = x.shape[0]
    scale = 1.0 / jnp.sqrt(jnp.float32(2 * OUT_SIZE))
    heads = []
    for h in range(HEAD):
        K_v = x @ K_v2v[h]
        V_v = x @ V_v2v[h]
        q_i = K_v[dst]
        k_j = K_v[src]
        v_j = V_v[src]
        K_E = edge_feature @ K_e2v[h]
        V_E = edge_feature @ V_e2v[h]
        query_i = jnp.concatenate([q_i, q_i], axis=1)
        key_j = jnp.concatenate([k_j, K_E], axis=1)
        alpha = query_i * key_j * scale
        msg = jnp.concatenate([v_j, V_E], axis=1)
        msg = (msg @ lu_W[h] + lu_b[h]) * jax.nn.sigmoid(_layer_norm(alpha, ln1_g[h], ln1_b[h]))
        msg = _leaky_relu(_layer_norm(msg @ msg_W[h] + msg_b[h], ln2_g[h], ln2_b[h]))
        heads.append(jax.ops.segment_sum(msg, dst, num_segments=n))
    hv = jnp.concatenate(heads, axis=1)
    out = hv @ cat_W + cat_b
    mean = out.mean(axis=0)
    var = out.var(axis=0)
    out = (out - mean) / jnp.sqrt(var + 1e-5) * bn_g + bn_b
    out = _leaky_relu(out)
    return out + x

if __name__ == "__main__":
    import jax
    _d = setup_inputs()
    print(jax.jit(kernel)(*tuple(_d.values())))

</pallas_src>

<mosaic_0001>
#map = affine_map<(d0, d1) -> (0, 0, 0)>
#map1 = affine_map<(d0, d1) -> (0, 0)>
module attributes {stable_mosaic.version = 14 : i64} {
  func.func @scatter_agg(%arg0: i32, %arg1: i32, %arg2: memref<2x163840x128xf32, #tpu.memory_space<hbm>>, %arg3: memref<16x80x128xi32, #tpu.memory_space<hbm>>, %arg4: memref<128x128xf32, #tpu.memory_space<hbm>>, %arg5: memref<2x10240x128xf32, #tpu.memory_space<hbm>>, %arg6: memref<80x128xi32, #tpu.memory_space<vmem>>, %arg7: memref<128x128xf32, #tpu.memory_space<vmem>>, %arg8: memref<10240x128xf32, #tpu.memory_space<vmem_shared>>, %arg9: memref<!tpu.dma_semaphore, #tpu.memory_space<semaphore_mem>>) attributes {dimension_semantics = [#tpu.dimension_semantics<core_parallel>, #tpu.dimension_semantics<subcore_parallel>], iteration_bounds = array<i64: 2, 16>, scalar_prefetch = 0 : i64, scratch_operands = 4 : i64, tpu.core_type = #tpu.core_type<sc_vector_subcore>, window_params = [{transform_indices = #map}, {transform_indices = #map}, {transform_indices = #map1}, {transform_indices = #map}]} {
    %mul3A = arith.constant 10240 : i32
    %mul3A_0 = arith.muli %arg1, %mul3A : i32
    "tpu.region"() ({
      %run_scoped3A = tpu.sem_alloc : memref<!tpu.dma_semaphore, #tpu.memory_space<semaphore_mem>>
      tpu.enqueue_dma source(%arg4 : memref<128x128xf32, #tpu.memory_space<hbm>>) target(%arg7 : memref<128x128xf32, #tpu.memory_space<vmem>>) target_semaphore(%run_scoped3A : memref<!tpu.dma_semaphore, #tpu.memory_space<semaphore_mem>>)
      tpu.wait_dma2 semaphore(%run_scoped3A : memref<!tpu.dma_semaphore, #tpu.memory_space<semaphore_mem>>) src(%arg4 : memref<128x128xf32, #tpu.memory_space<hbm>>) dst(%arg7 : memref<128x128xf32, #tpu.memory_space<vmem>>)
      tpu.yield
    }) : () -> ()
    %scan3A = arith.constant 0 : i32
    %scan3A_1 = arith.constant 0 : i32
    %scan3A_2 = arith.constant 5 : i32
    %scan3A_3 = arith.addi %scan3A_1, %scan3A_2 : i32
    %scan3A_4 = arith.constant 1 : i32
    scf.for %scan3A_19 = %scan3A_1 to %scan3A_3 step %scan3A_4  : i32 {
      %mul3A_20 = arith.constant 640 : i32
      %mul3A_21 = arith.muli %arg1, %mul3A_20 : i32
      %mul3A_22 = arith.constant 128 : i32
      %mul3A_23 = arith.muli %scan3A_19, %mul3A_22 : i32
      %add3A = arith.addi %mul3A_21, %mul3A_23 : i32
      "tpu.region"() ({
        %run_scoped3A = tpu.sem_alloc : memref<!tpu.dma_semaphore, #tpu.memory_space<semaphore_mem>>
        %dma_start3A = arith.constant 0 : i32
        %dma_start3A_24 = tpu.memref_slice %arg8[%add3A, %dma_start3A] : memref<10240x128xf32, #tpu.memory_space<vmem_shared>> -> memref<128x128xf32, #tpu.memory_space<vmem_shared>>
        %dma_start3A_25 = arith.constant 0 : i32
        %dma_start3A_26 = tpu.memref_slice %arg8[%add3A, %dma_start3A_25] : memref<10240x128xf32, #tpu.memory_space<vmem_shared>> -> memref<128x128xf32, #tpu.memory_space<vmem_shared>>
        tpu.enqueue_dma source(%arg7 : memref<128x128xf32, #tpu.memory_space<vmem>>) target(%dma_start3A_26 : memref<128x128xf32, #tpu.memory_space<vmem_shared>>) target_semaphore(%run_scoped3A : memref<!tpu.dma_semaphore, #tpu.memory_space<semaphore_mem>>)
        %dma_wait3A = arith.constant 0 : i32
        %dma_wait3A_27 = tpu.memref_slice %arg8[%add3A, %dma_wait3A] : memref<10240x128xf32, #tpu.memory_space<vmem_shared>> -> memref<128x128xf32, #tpu.memory_space<vmem_shared>>
        %dma_wait3A_28 = arith.constant 0 : i32
        %dma_wait3A_29 = tpu.memref_slice %arg8[%add3A, %dma_wait3A_28] : memref<10240x128xf32, #tpu.memory_space<vmem_shared>> -> memref<128x128xf32, #tpu.memory_space<vmem_shared>>
        tpu.wait_dma2 semaphore(%run_scoped3A : memref<!tpu.dma_semaphore, #tpu.memory_space<semaphore_mem>>) src(%arg7 : memref<128x128xf32, #tpu.memory_space<vmem>>) dst(%dma_wait3A_29 : memref<128x128xf32, #tpu.memory_space<vmem_shared>>)
        tpu.yield
      }) : () -> ()
    }
    %scan3A_5 = arith.constant 5 : i32
    "tpu.region"() ({
      %run_scoped3A = tpu.sem_alloc : memref<!tpu.dma_semaphore, #tpu.memory_space<semaphore_mem>>
      %dma_start3A = arith.constant 0 : i32
      %dma_start3A_19 = arith.constant 0 : i32
      %dma_start3A_20 = tpu.memref_slice %arg3[%arg1, %dma_start3A, %dma_start3A_19] : memref<16x80x128xi32, #tpu.memory_space<hbm>> -> memref<1x80x128xi32, #tpu.memory_space<hbm>>
      %dma_start3A_21 = tpu.memref_squeeze %dma_start3A_20 : memref<1x80x128xi32, #tpu.memory_space<hbm>> -> memref<80x128xi32, #tpu.memory_space<hbm>>
      %dma_start3A_22 = arith.constant 0 : i32
      %dma_start3A_23 = arith.constant 0 : i32
      %dma_start3A_24 = tpu.memref_slice %arg3[%arg1, %dma_start3A_22, %dma_start3A_23] : memref<16x80x128xi32, #tpu.memory_space<hbm>> -> memref<1x80x128xi32, #tpu.memory_space<hbm>>
      %dma_start3A_25 = tpu.memref_squeeze %dma_start3A_24 : memref<1x80x128xi32, #tpu.memory_space<hbm>> -> memref<80x128xi32, #tpu.memory_space<hbm>>
      tpu.enqueue_dma source(%dma_start3A_25 : memref<80x128xi32, #tpu.memory_space<hbm>>) target(%arg6 : memref<80x128xi32, #tpu.memory_space<vmem>>) target_semaphore(%run_scoped3A : memref<!tpu.dma_semaphore, #tpu.memory_space<semaphore_mem>>)
      %dma_wait3A = arith.constant 0 : i32
      %dma_wait3A_26 = arith.constant 0 : i32
      %dma_wait3A_27 = tpu.memref_slice %arg3[%arg1, %dma_wait3A, %dma_wait3A_26] : memref<16x80x128xi32, #tpu.memory_space<hbm>> -> memref<1x80x128xi32, #tpu.memory_space<hbm>>
      %dma_wait3A_28 = tpu.memref_squeeze %dma_wait3A_27 : memref<1x80x128xi32, #tpu.memory_space<hbm>> -> memref<80x128xi32, #tpu.memory_space<hbm>>
      %dma_wait3A_29 = arith.constant 0 : i32
      %dma_wait3A_30 = arith.constant 0 : i32
      %dma_wait3A_31 = tpu.memref_slice %arg3[%arg1, %dma_wait3A_29, %dma_wait3A_30] : memref<16x80x128xi32, #tpu.memory_space<hbm>> -> memref<1x80x128xi32, #tpu.memory_space<hbm>>
      %dma_wait3A_32 = tpu.memref_squeeze %dma_wait3A_31 : memref<1x80x128xi32, #tpu.memory_space<hbm>> -> memref<80x128xi32, #tpu.memory_space<hbm>>
      tpu.wait_dma2 semaphore(%run_scoped3A : memref<!tpu.dma_semaphore, #tpu.memory_space<semaphore_mem>>) src(%dma_wait3A_32 : memref<80x128xi32, #tpu.memory_space<hbm>>) dst(%arg6 : memref<80x128xi32, #tpu.memory_space<vmem>>)
      tpu.yield
    }) : () -> ()
    %barrier3A = arith.constant 0 : index
    tpu.barrier barrier_id(%barrier3A)
    %scan3A_6 = arith.constant 0 : i32
    %scan3A_7 = arith.constant 0 : i32
    %scan3A_8 = arith.constant 80 : i32
    %scan3A_9 = arith.addi %scan3A_7, %scan3A_8 : i32
    %scan3A_10 = arith.constant 1 : i32
    scf.for %scan3A_19 = %scan3A_7 to %scan3A_9 step %scan3A_10  : i32 {
      %mul3A_20 = arith.constant 128 : i32
      %mul3A_21 = arith.muli %scan3A_19, %mul3A_20 : i32
      %add3A = arith.addi %mul3A_0, %mul3A_21 : i32
      "tpu.region"() ({
        %run_scoped3A = tpu.sem_alloc : memref<!tpu.dma_semaphore, #tpu.memory_space<semaphore_mem>>
        %dma_start3A = arith.constant 0 : i32
        %dma_start3A_22 = tpu.memref_slice %arg2[%arg0, %add3A, %dma_start3A] : memref<2x163840x128xf32, #tpu.memory_space<hbm>> -> memref<1x128x128xf32, #tpu.memory_space<hbm>>
        %dma_start3A_23 = tpu.memref_squeeze %dma_start3A_22 : memref<1x128x128xf32, #tpu.memory_space<hbm>> -> memref<128x128xf32, #tpu.memory_space<hbm>>
        %dma_start3A_24 = arith.constant 0 : i32
        %dma_start3A_25 = tpu.memref_slice %arg2[%arg0, %add3A, %dma_start3A_24] : memref<2x163840x128xf32, #tpu.memory_space<hbm>> -> memref<1x128x128xf32, #tpu.memory_space<hbm>>
        %dma_start3A_26 = tpu.memref_squeeze %dma_start3A_25 : memref<1x128x128xf32, #tpu.memory_space<hbm>> -> memref<128x128xf32, #tpu.memory_space<hbm>>
        tpu.enqueue_dma source(%dma_start3A_26 : memref<128x128xf32, #tpu.memory_space<hbm>>) target(%arg7 : memref<128x128xf32, #tpu.memory_space<vmem>>) target_semaphore(%run_scoped3A : memref<!tpu.dma_semaphore, #tpu.memory_space<semaphore_mem>>)
        %dma_wait3A = arith.constant 0 : i32
        %dma_wait3A_27 = tpu.memref_slice %arg2[%arg0, %add3A, %dma_wait3A] : memref<2x163840x128xf32, #tpu.memory_space<hbm>> -> memref<1x128x128xf32, #tpu.memory_space<hbm>>
        %dma_wait3A_28 = tpu.memref_squeeze %dma_wait3A_27 : memref<1x128x128xf32, #tpu.memory_space<hbm>> -> memref<128x128xf32, #tpu.memory_space<hbm>>
        %dma_wait3A_29 = arith.constant 0 : i32
        %dma_wait3A_30 = tpu.memref_slice %arg2[%arg0, %add3A, %dma_wait3A_29] : memref<2x163840x128xf32, #tpu.memory_space<hbm>> -> memref<1x128x128xf32, #tpu.memory_space<hbm>>
        %dma_wait3A_31 = tpu.memref_squeeze %dma_wait3A_30 : memref<1x128x128xf32, #tpu.memory_space<hbm>> -> memref<128x128xf32, #tpu.memory_space<hbm>>
        tpu.wait_dma2 semaphore(%run_scoped3A : memref<!tpu.dma_semaphore, #tpu.memory_space<semaphore_mem>>) src(%dma_wait3A_31 : memref<128x128xf32, #tpu.memory_space<hbm>>) dst(%arg7 : memref<128x128xf32, #tpu.memory_space<vmem>>)
        tpu.yield
      }) : () -> ()
      "tpu.region"() ({
        %run_scoped3A = tpu.sem_alloc : memref<!tpu.dma_semaphore, #tpu.memory_space<semaphore_mem>>
        %dma_start3A = arith.constant 0 : i32
        %dma_start3A_22 = tpu.memref_slice %arg6[%scan3A_19, %dma_start3A] : memref<80x128xi32, #tpu.memory_space<vmem>> -> memref<1x128xi32, #tpu.memory_space<vmem>>
        %dma_start3A_23 = tpu.memref_squeeze %dma_start3A_22 : memref<1x128xi32, #tpu.memory_space<vmem>> -> memref<128xi32, #tpu.memory_space<vmem>>
        %dma_start3A_24 = arith.constant 0 : i32
        %dma_start3A_25 = arith.constant 0 : i32
        %dma_start3A_26 = tpu.memref_slice %arg8[%dma_start3A_24, %dma_start3A_25] : memref<10240x128xf32, #tpu.memory_space<vmem_shared>> -> memref<10240x128xf32, #tpu.memory_space<vmem_shared>>
        tpu.enqueue_indirect_dma source(%arg7 : memref<128x128xf32, #tpu.memory_space<vmem>>) target(%dma_start3A_26 : memref<10240x128xf32, #tpu.memory_space<vmem_shared>>) offsets(%dma_start3A_23 : memref<128xi32, #tpu.memory_space<vmem>>) semaphore(%run_scoped3A : memref<!tpu.dma_semaphore, #tpu.memory_space<semaphore_mem>>) {add = true}
        %dma_wait3A = arith.constant 0 : i32
        %dma_wait3A_27 = tpu.memref_slice %arg6[%scan3A_19, %dma_wait3A] : memref<80x128xi32, #tpu.memory_space<vmem>> -> memref<1x128xi32, #tpu.memory_space<vmem>>
        %dma_wait3A_28 = tpu.memref_squeeze %dma_wait3A_27 : memref<1x128xi32, #tpu.memory_space<vmem>> -> memref<128xi32, #tpu.memory_space<vmem>>
        %dma_wait3A_29 = arith.constant 0 : i32
        %dma_wait3A_30 = arith.constant 0 : i32
        %dma_wait3A_31 = tpu.memref_slice %arg8[%dma_wait3A_29, %dma_wait3A_30] : memref<10240x128xf32, #tpu.memory_space<vmem_shared>> -> memref<10240x128xf32, #tpu.memory_space<vmem_shared>>
        tpu.wait_indirect_dma semaphore(%run_scoped3A : memref<!tpu.dma_semaphore, #tpu.memory_space<semaphore_mem>>) src(%arg7 : memref<128x128xf32, #tpu.memory_space<vmem>>) dst(%dma_wait3A_31 : memref<10240x128xf32, #tpu.memory_space<vmem_shared>>)
        tpu.yield
      }) : () -> ()
    }
    %scan3A_11 = arith.constant 80 : i32
    %barrier3A_12 = arith.constant 0 : index
    tpu.barrier barrier_id(%barrier3A_12)
    %scan3A_13 = arith.constant 0 : i32
    %scan3A_14 = arith.constant 0 : i32
    %scan3A_15 = arith.constant 5 : i32
    %scan3A_16 = arith.addi %scan3A_14, %scan3A_15 : i32
    %scan3A_17 = arith.constant 1 : i32
    scf.for %scan3A_19 = %scan3A_14 to %scan3A_16 step %scan3A_17  : i32 {
      %mul3A_20 = arith.constant 640 : i32
      %mul3A_21 = arith.muli %arg1, %mul3A_20 : i32
      %mul3A_22 = arith.constant 128 : i32
      %mul3A_23 = arith.muli %scan3A_19, %mul3A_22 : i32
      %add3A = arith.addi %mul3A_21, %mul3A_23 : i32
      "tpu.region"() ({
        %run_scoped3A = tpu.sem_alloc : memref<!tpu.dma_semaphore, #tpu.memory_space<semaphore_mem>>
        %dma_start3A = arith.constant 0 : i32
        %dma_start3A_29 = tpu.memref_slice %arg8[%add3A, %dma_start3A] : memref<10240x128xf32, #tpu.memory_space<vmem_shared>> -> memref<128x128xf32, #tpu.memory_space<vmem_shared>>
        %dma_start3A_30 = arith.constant 0 : i32
        %dma_start3A_31 = tpu.memref_slice %arg8[%add3A, %dma_start3A_30] : memref<10240x128xf32, #tpu.memory_space<vmem_shared>> -> memref<128x128xf32, #tpu.memory_space<vmem_shared>>
        tpu.enqueue_dma source(%dma_start3A_31 : memref<128x128xf32, #tpu.memory_space<vmem_shared>>) target(%arg7 : memref<128x128xf32, #tpu.memory_space<vmem>>) target_semaphore(%run_scoped3A : memref<!tpu.dma_semaphore, #tpu.memory_space<semaphore_mem>>)
        %dma_wait3A = arith.constant 0 : i32
        %dma_wait3A_32 = tpu.memref_slice %arg8[%add3A, %dma_wait3A] : memref<10240x128xf32, #tpu.memory_space<vmem_shared>> -> memref<128x128xf32, #tpu.memory_space<vmem_shared>>
        %dma_wait3A_33 = arith.constant 0 : i32
        %dma_wait3A_34 = tpu.memref_slice %arg8[%add3A, %dma_wait3A_33] : memref<10240x128xf32, #tpu.memory_space<vmem_shared>> -> memref<128x128xf32, #tpu.memory_space<vmem_shared>>
        tpu.wait_dma2 semaphore(%run_scoped3A : memref<!tpu.dma_semaphore, #tpu.memory_space<semaphore_mem>>) src(%dma_wait3A_34 : memref<128x128xf32, #tpu.memory_space<vmem_shared>>) dst(%arg7 : memref<128x128xf32, #tpu.memory_space<vmem>>)
        tpu.yield
      }) : () -> ()
      %mul3A_24 = arith.constant 640 : i32
      %mul3A_25 = arith.muli %arg1, %mul3A_24 : i32
      %mul3A_26 = arith.constant 128 : i32
      %mul3A_27 = arith.muli %scan3A_19, %mul3A_26 : i32
      %add3A_28 = arith.addi %mul3A_25, %mul3A_27 : i32
      "tpu.region"() ({
        %run_scoped3A = tpu.sem_alloc : memref<!tpu.dma_semaphore, #tpu.memory_space<semaphore_mem>>
        %dma_start3A = arith.constant 0 : i32
        %dma_start3A_29 = tpu.memref_slice %arg5[%arg0, %add3A_28, %dma_start3A] : memref<2x10240x128xf32, #tpu.memory_space<hbm>> -> memref<1x128x128xf32, #tpu.memory_space<hbm>>
        %dma_start3A_30 = tpu.memref_squeeze %dma_start3A_29 : memref<1x128x128xf32, #tpu.memory_space<hbm>> -> memref<128x128xf32, #tpu.memory_space<hbm>>
        %dma_start3A_31 = arith.constant 0 : i32
        %dma_start3A_32 = tpu.memref_slice %arg5[%arg0, %add3A_28, %dma_start3A_31] : memref<2x10240x128xf32, #tpu.memory_space<hbm>> -> memref<1x128x128xf32, #tpu.memory_space<hbm>>
        %dma_start3A_33 = tpu.memref_squeeze %dma_start3A_32 : memref<1x128x128xf32, #tpu.memory_space<hbm>> -> memref<128x128xf32, #tpu.memory_space<hbm>>
        tpu.enqueue_dma source(%arg7 : memref<128x128xf32, #tpu.memory_space<vmem>>) target(%dma_start3A_33 : memref<128x128xf32, #tpu.memory_space<hbm>>) target_semaphore(%run_scoped3A : memref<!tpu.dma_semaphore, #tpu.memory_space<semaphore_mem>>)
        %dma_wait3A = arith.constant 0 : i32
        %dma_wait3A_34 = tpu.memref_slice %arg5[%arg0, %add3A_28, %dma_wait3A] : memref<2x10240x128xf32, #tpu.memory_space<hbm>> -> memref<1x128x128xf32, #tpu.memory_space<hbm>>
        %dma_wait3A_35 = tpu.memref_squeeze %dma_wait3A_34 : memref<1x128x128xf32, #tpu.memory_space<hbm>> -> memref<128x128xf32, #tpu.memory_space<hbm>>
        %dma_wait3A_36 = arith.constant 0 : i32
        %dma_wait3A_37 = tpu.memref_slice %arg5[%arg0, %add3A_28, %dma_wait3A_36] : memref<2x10240x128xf32, #tpu.memory_space<hbm>> -> memref<1x128x128xf32, #tpu.memory_space<hbm>>
        %dma_wait3A_38 = tpu.memref_squeeze %dma_wait3A_37 : memref<1x128x128xf32, #tpu.memory_space<hbm>> -> memref<128x128xf32, #tpu.memory_space<hbm>>
        tpu.wait_dma2 semaphore(%run_scoped3A : memref<!tpu.dma_semaphore, #tpu.memory_space<semaphore_mem>>) src(%arg7 : memref<128x128xf32, #tpu.memory_space<vmem>>) dst(%dma_wait3A_38 : memref<128x128xf32, #tpu.memory_space<hbm>>)
        tpu.yield
      }) : () -> ()
    }
    %scan3A_18 = arith.constant 5 : i32
    return
  }
}

#map = affine_map<(d0, d1) -> (0, 0)>
#map1 = affine_map<(d0, d1) -> (0, 0, 0)>
module attributes {stable_mosaic.version = 14 : i64} {
  func.func @gather_xe(%arg0: i32, %arg1: i32, %arg2: memref<10000x128xf32, #tpu.memory_space<hbm>>, %arg3: memref<32x40x128xi32, #tpu.memory_space<hbm>>, %arg4: memref<32x40x128xi32, #tpu.memory_space<hbm>>, %arg5: memref<163840x128xf32, #tpu.memory_space<hbm>>, %arg6: memref<163840x128xf32, #tpu.memory_space<hbm>>, %arg7: memref<40x128xi32, #tpu.memory_space<vmem>>, %arg8: memref<40x128xi32, #tpu.memory_space<vmem>>, %arg9: memref<128x128xf32, #tpu.memory_space<vmem>>, %arg10: memref<128x128xf32, #tpu.memory_space<vmem>>, %arg11: memref<!tpu.dma_semaphore, #tpu.memory_space<semaphore_mem>>, %arg12: memref<!tpu.dma_semaphore, #tpu.memory_space<semaphore_mem>>) attributes {dimension_semantics = [#tpu.dimension_semantics<core_parallel>, #tpu.dimension_semantics<subcore_parallel>], iteration_bounds = array<i64: 2, 16>, scalar_prefetch = 0 : i64, scratch_operands = 6 : i64, tpu.core_type = #tpu.core_type<sc_vector_subcore>, window_params = [{transform_indices = #map}, {transform_indices = #map1}, {transform_indices = #map1}, {transform_indices = #map}, {transform_indices = #map}]} {
    %mul3A = arith.constant 2 : i32
    %mul3A_0 = arith.muli %arg1, %mul3A : i32
    %add3A = arith.addi %mul3A_0, %arg0 : i32
    %mul3A_1 = arith.constant 5120 : i32
    %mul3A_2 = arith.muli %add3A, %mul3A_1 : i32
    "tpu.region"() ({
      %run_scoped3A = tpu.sem_alloc : memref<!tpu.dma_semaphore, #tpu.memory_space<semaphore_mem>>
      %dma_start3A = arith.constant 0 : i32
      %dma_start3A_8 = arith.constant 0 : i32
      %dma_start3A_9 = tpu.memref_slice %arg3[%add3A, %dma_start3A, %dma_start3A_8] : memref<32x40x128xi32, #tpu.memory_space<hbm>> -> memref<1x40x128xi32, #tpu.memory_space<hbm>>
      %dma_start3A_10 = tpu.memref_squeeze %dma_start3A_9 : memref<1x40x128xi32, #tpu.memory_space<hbm>> -> memref<40x128xi32, #tpu.memory_space<hbm>>
      %dma_start3A_11 = arith.constant 0 : i32
      %dma_start3A_12 = arith.constant 0 : i32
      %dma_start3A_13 = tpu.memref_slice %arg3[%add3A, %dma_start3A_11, %dma_start3A_12] : memref<32x40x128xi32, #tpu.memory_space<hbm>> -> memref<1x40x128xi32, #tpu.memory_space<hbm>>
      %dma_start3A_14 = tpu.memref_squeeze %dma_start3A_13 : memref<1x40x128xi32, #tpu.memory_space<hbm>> -> memref<40x128xi32, #tpu.memory_space<hbm>>
      tpu.enqueue_dma source(%dma_start3A_14 : memref<40x128xi32, #tpu.memory_space<hbm>>) target(%arg7 : memref<40x128xi32, #tpu.memory_space<vmem>>) target_semaphore(%run_scoped3A : memref<!tpu.dma_semaphore, #tpu.memory_space<semaphore_mem>>)
      %dma_wait3A = arith.constant 0 : i32
      %dma_wait3A_15 = arith.constant 0 : i32
      %dma_wait3A_16 = tpu.memref_slice %arg3[%add3A, %dma_wait3A, %dma_wait3A_15] : memref<32x40x128xi32, #tpu.memory_space<hbm>> -> memref<1x40x128xi32, #tpu.memory_space<hbm>>
      %dma_wait3A_17 = tpu.memref_squeeze %dma_wait3A_16 : memref<1x40x128xi32, #tpu.memory_space<hbm>> -> memref<40x128xi32, #tpu.memory_space<hbm>>
      %dma_wait3A_18 = arith.constant 0 : i32
      %dma_wait3A_19 = arith.constant 0 : i32
      %dma_wait3A_20 = tpu.memref_slice %arg3[%add3A, %dma_wait3A_18, %dma_wait3A_19] : memref<32x40x128xi32, #tpu.memory_space<hbm>> -> memref<1x40x128xi32, #tpu.memory_space<hbm>>
      %dma_wait3A_21 = tpu.memref_squeeze %dma_wait3A_20 : memref<1x40x128xi32, #tpu.memory_space<hbm>> -> memref<40x128xi32, #tpu.memory_space<hbm>>
      tpu.wait_dma2 semaphore(%run_scoped3A : memref<!tpu.dma_semaphore, #tpu.memory_space<semaphore_mem>>) src(%dma_wait3A_21 : memref<40x128xi32, #tpu.memory_space<hbm>>) dst(%arg7 : memref<40x128xi32, #tpu.memory_space<vmem>>)
      tpu.yield
    }) : () -> ()
    "tpu.region"() ({
      %run_scoped3A = tpu.sem_alloc : memref<!tpu.dma_semaphore, #tpu.memory_space<semaphore_mem>>
      %dma_start3A = arith.constant 0 : i32
      %dma_start3A_8 = arith.constant 0 : i32
      %dma_start3A_9 = tpu.memref_slice %arg4[%add3A, %dma_start3A, %dma_start3A_8] : memref<32x40x128xi32, #tpu.memory_space<hbm>> -> memref<1x40x128xi32, #tpu.memory_space<hbm>>
      %dma_start3A_10 = tpu.memref_squeeze %dma_start3A_9 : memref<1x40x128xi32, #tpu.memory_space<hbm>> -> memref<40x128xi32, #tpu.memory_space<hbm>>
      %dma_start3A_11 = arith.constant 0 : i32
      %dma_start3A_12 = arith.constant 0 : i32
      %dma_start3A_13 = tpu.memref_slice %arg4[%add3A, %dma_start3A_11, %dma_start3A_12] : memref<32x40x128xi32, #tpu.memory_space<hbm>> -> memref<1x40x128xi32, #tpu.memory_space<hbm>>
      %dma_start3A_14 = tpu.memref_squeeze %dma_start3A_13 : memref<1x40x128xi32, #tpu.memory_space<hbm>> -> memref<40x128xi32, #tpu.memory_space<hbm>>
      tpu.enqueue_dma source(%dma_start3A_14 : memref<40x128xi32, #tpu.memory_space<hbm>>) target(%arg8 : memref<40x128xi32, #tpu.memory_space<vmem>>) target_semaphore(%run_scoped3A : memref<!tpu.dma_semaphore, #tpu.memory_space<semaphore_mem>>)
      %dma_wait3A = arith.constant 0 : i32
      %dma_wait3A_15 = arith.constant 0 : i32
      %dma_wait3A_16 = tpu.memref_slice %arg4[%add3A, %dma_wait3A, %dma_wait3A_15] : memref<32x40x128xi32, #tpu.memory_space<hbm>> -> memref<1x40x128xi32, #tpu.memory_space<hbm>>
      %dma_wait3A_17 = tpu.memref_squeeze %dma_wait3A_16 : memref<1x40x128xi32, #tpu.memory_space<hbm>> -> memref<40x128xi32, #tpu.memory_space<hbm>>
      %dma_wait3A_18 = arith.constant 0 : i32
      %dma_wait3A_19 = arith.constant 0 : i32
      %dma_wait3A_20 = tpu.memref_slice %arg4[%add3A, %dma_wait3A_18, %dma_wait3A_19] : memref<32x40x128xi32, #tpu.memory_space<hbm>> -> memref<1x40x128xi32, #tpu.memory_space<hbm>>
      %dma_wait3A_21 = tpu.memref_squeeze %dma_wait3A_20 : memref<1x40x128xi32, #tpu.memory_space<hbm>> -> memref<40x128xi32, #tpu.memory_space<hbm>>
      tpu.wait_dma2 semaphore(%run_scoped3A : memref<!tpu.dma_semaphore, #tpu.memory_space<semaphore_mem>>) src(%dma_wait3A_21 : memref<40x128xi32, #tpu.memory_space<hbm>>) dst(%arg8 : memref<40x128xi32, #tpu.memory_space<vmem>>)
      tpu.yield
    }) : () -> ()
    %scan3A = arith.constant 0 : i32
    %scan3A_3 = arith.constant 0 : i32
    %scan3A_4 = arith.constant 40 : i32
    %scan3A_5 = arith.addi %scan3A_3, %scan3A_4 : i32
    %scan3A_6 = arith.constant 1 : i32
    scf.for %scan3A_8 = %scan3A_3 to %scan3A_5 step %scan3A_6  : i32 {
      %dma_start3A = arith.constant 0 : i32
      %dma_start3A_9 = tpu.memref_slice %arg7[%scan3A_8, %dma_start3A] : memref<40x128xi32, #tpu.memory_space<vmem>> -> memref<1x128xi32, #tpu.memory_space<vmem>>
      %dma_start3A_10 = tpu.memref_squeeze %dma_start3A_9 : memref<1x128xi32, #tpu.memory_space<vmem>> -> memref<128xi32, #tpu.memory_space<vmem>>
      %dma_start3A_11 = arith.constant 0 : i32
      %dma_start3A_12 = arith.constant 0 : i32
      %dma_start3A_13 = tpu.memref_slice %arg2[%dma_start3A_11, %dma_start3A_12] : memref<10000x128xf32, #tpu.memory_space<hbm>> -> memref<10000x128xf32, #tpu.memory_space<hbm>>
      tpu.enqueue_indirect_dma source(%dma_start3A_13 : memref<10000x128xf32, #tpu.memory_space<hbm>>) target(%arg9 : memref<128x128xf32, #tpu.memory_space<vmem>>) offsets(%dma_start3A_10 : memref<128xi32, #tpu.memory_space<vmem>>) semaphore(%arg11 : memref<!tpu.dma_semaphore, #tpu.memory_space<semaphore_mem>>)
      %dma_start3A_14 = arith.constant 0 : i32
      %dma_start3A_15 = tpu.memref_slice %arg8[%scan3A_8, %dma_start3A_14] : memref<40x128xi32, #tpu.memory_space<vmem>> -> memref<1x128xi32, #tpu.memory_space<vmem>>
      %dma_start3A_16 = tpu.memref_squeeze %dma_start3A_15 : memref<1x128xi32, #tpu.memory_space<vmem>> -> memref<128xi32, #tpu.memory_space<vmem>>
      %dma_start3A_17 = arith.constant 0 : i32
      %dma_start3A_18 = arith.constant 0 : i32
      %dma_start3A_19 = tpu.memref_slice %arg2[%dma_start3A_17, %dma_start3A_18] : memref<10000x128xf32, #tpu.memory_space<hbm>> -> memref<10000x128xf32, #tpu.memory_space<hbm>>
      tpu.enqueue_indirect_dma source(%dma_start3A_19 : memref<10000x128xf32, #tpu.memory_space<hbm>>) target(%arg10 : memref<128x128xf32, #tpu.memory_space<vmem>>) offsets(%dma_start3A_16 : memref<128xi32, #tpu.memory_space<vmem>>) semaphore(%arg12 : memref<!tpu.dma_semaphore, #tpu.memory_space<semaphore_mem>>)
      %dma_wait3A = arith.constant 0 : i32
      %dma_wait3A_20 = tpu.memref_slice %arg7[%scan3A_8, %dma_wait3A] : memref<40x128xi32, #tpu.memory_space<vmem>> -> memref<1x128xi32, #tpu.memory_space<vmem>>
      %dma_wait3A_21 = tpu.memref_squeeze %dma_wait3A_20 : memref<1x128xi32, #tpu.memory_space<vmem>> -> memref<128xi32, #tpu.memory_space<vmem>>
      %dma_wait3A_22 = arith.constant 0 : i32
      %dma_wait3A_23 = arith.constant 0 : i32
      %dma_wait3A_24 = tpu.memref_slice %arg2[%dma_wait3A_22, %dma_wait3A_23] : memref<10000x128xf32, #tpu.memory_space<hbm>> -> memref<10000x128xf32, #tpu.memory_space<hbm>>
      tpu.wait_indirect_dma semaphore(%arg11 : memref<!tpu.dma_semaphore, #tpu.memory_space<semaphore_mem>>) src(%dma_wait3A_24 : memref<10000x128xf32, #tpu.memory_space<hbm>>) dst(%arg9 : memref<128x128xf32, #tpu.memory_space<vmem>>)
      %mul3A_25 = arith.constant 128 : i32
      %mul3A_26 = arith.muli %scan3A_8, %mul3A_25 : i32
      %add3A_27 = arith.addi %mul3A_2, %mul3A_26 : i32
      "tpu.region"() ({
        %run_scoped3A = tpu.sem_alloc : memref<!tpu.dma_semaphore, #tpu.memory_space<semaphore_mem>>
        %dma_start3A_37 = arith.constant 0 : i32
        %dma_start3A_38 = tpu.memref_slice %arg5[%add3A_27, %dma_start3A_37] : memref<163840x128xf32, #tpu.memory_space<hbm>> -> memref<128x128xf32, #tpu.memory_space<hbm>>
        %dma_start3A_39 = arith.constant 0 : i32
        %dma_start3A_40 = tpu.memref_slice %arg5[%add3A_27, %dma_start3A_39] : memref<163840x128xf32, #tpu.memory_space<hbm>> -> memref<128x128xf32, #tpu.memory_space<hbm>>
        tpu.enqueue_dma source(%arg9 : memref<128x128xf32, #tpu.memory_space<vmem>>) target(%dma_start3A_40 : memref<128x128xf32, #tpu.memory_space<hbm>>) target_semaphore(%run_scoped3A : memref<!tpu.dma_semaphore, #tpu.memory_space<semaphore_mem>>)
        %dma_wait3A_41 = arith.constant 0 : i32
        %dma_wait3A_42 = tpu.memref_slice %arg5[%add3A_27, %dma_wait3A_41] : memref<163840x128xf32, #tpu.memory_space<hbm>> -> memref<128x128xf32, #tpu.memory_space<hbm>>
        %dma_wait3A_43 = arith.constant 0 : i32
        %dma_wait3A_44 = tpu.memref_slice %arg5[%add3A_27, %dma_wait3A_43] : memref<163840x128xf32, #tpu.memory_space<hbm>> -> memref<128x128xf32, #tpu.memory_space<hbm>>
        tpu.wait_dma2 semaphore(%run_scoped3A : memref<!tpu.dma_semaphore, #tpu.memory_space<semaphore_mem>>) src(%arg9 : memref<128x128xf32, #tpu.memory_space<vmem>>) dst(%dma_wait3A_44 : memref<128x128xf32, #tpu.memory_space<hbm>>)
        tpu.yield
      }) : () -> ()
      %dma_wait3A_28 = arith.constant 0 : i32
      %dma_wait3A_29 = tpu.memref_slice %arg8[%scan3A_8, %dma_wait3A_28] : memref<40x128xi32, #tpu.memory_space<vmem>> -> memref<1x128xi32, #tpu.memory_space<vmem>>
      %dma_wait3A_30 = tpu.memref_squeeze %dma_wait3A_29 : memref<1x128xi32, #tpu.memory_space<vmem>> -> memref<128xi32, #tpu.memory_space<vmem>>
      %dma_wait3A_31 = arith.constant 0 : i32
      %dma_wait3A_32 = arith.constant 0 : i32
      %dma_wait3A_33 = tpu.memref_slice %arg2[%dma_wait3A_31, %dma_wait3A_32] : memref<10000x128xf32, #tpu.memory_space<hbm>> -> memref<10000x128xf32, #tpu.memory_space<hbm>>
      tpu.wait_indirect_dma semaphore(%arg12 : memref<!tpu.dma_semaphore, #tpu.memory_space<semaphore_mem>>) src(%dma_wait3A_33 : memref<10000x128xf32, #tpu.memory_space<hbm>>) dst(%arg10 : memref<128x128xf32, #tpu.memory_space<vmem>>)
      %mul3A_34 = arith.constant 128 : i32
      %mul3A_35 = arith.muli %scan3A_8, %mul3A_34 : i32
      %add3A_36 = arith.addi %mul3A_2, %mul3A_35 : i32
      "tpu.region"() ({
        %run_scoped3A = tpu.sem_alloc : memref<!tpu.dma_semaphore, #tpu.memory_space<semaphore_mem>>
        %dma_start3A_37 = arith.constant 0 : i32
        %dma_start3A_38 = tpu.memref_slice %arg6[%add3A_36, %dma_start3A_37] : memref<163840x128xf32, #tpu.memory_space<hbm>> -> memref<128x128xf32, #tpu.memory_space<hbm>>
        %dma_start3A_39 = arith.constant 0 : i32
        %dma_start3A_40 = tpu.memref_slice %arg6[%add3A_36, %dma_start3A_39] : memref<163840x128xf32, #tpu.memory_space<hbm>> -> memref<128x128xf32, #tpu.memory_space<hbm>>
        tpu.enqueue_dma source(%arg10 : memref<128x128xf32, #tpu.memory_space<vmem>>) target(%dma_start3A_40 : memref<128x128xf32, #tpu.memory_space<hbm>>) target_semaphore(%run_scoped3A : memref<!tpu.dma_semaphore, #tpu.memory_space<semaphore_mem>>)
        %dma_wait3A_41 = arith.constant 0 : i32
        %dma_wait3A_42 = tpu.memref_slice %arg6[%add3A_36, %dma_wait3A_41] : memref<163840x128xf32, #tpu.memory_space<hbm>> -> memref<128x128xf32, #tpu.memory_space<hbm>>
        %dma_wait3A_43 = arith.constant 0 : i32
        %dma_wait3A_44 = tpu.memref_slice %arg6[%add3A_36, %dma_wait3A_43] : memref<163840x128xf32, #tpu.memory_space<hbm>> -> memref<128x128xf32, #tpu.memory_space<hbm>>
        tpu.wait_dma2 semaphore(%run_scoped3A : memref<!tpu.dma_semaphore, #tpu.memory_space<semaphore_mem>>) src(%arg10 : memref<128x128xf32, #tpu.memory_space<vmem>>) dst(%dma_wait3A_44 : memref<128x128xf32, #tpu.memory_space<hbm>>)
        tpu.yield
      }) : () -> ()
    }
    %scan3A_7 = arith.constant 40 : i32
    return
  }
}

module attributes {stable_mosaic.version = 14 : i64} {
  func.func @_prep_body(%arg0: memref<2x128x128xf32, #tpu.memory_space<vmem>>, %arg1: memref<2x128x128xf32, #tpu.memory_space<vmem>>, %arg2: memref<2x128x128xf32, #tpu.memory_space<vmem>>, %arg3: memref<2x128x128xf32, #tpu.memory_space<vmem>>, %arg4: memref<2x256x256xf32, #tpu.memory_space<vmem>>, %arg5: memref<2x256x128xf32, #tpu.memory_space<vmem>>, %arg6: memref<128x768xbf16, #tpu.memory_space<vmem>>, %arg7: memref<128x768xbf16, #tpu.memory_space<vmem>>, %arg8: memref<2x256x128xbf16, #tpu.memory_space<vmem>>) attributes {dimension_semantics = [], scalar_prefetch = 0 : i64, scratch_operands = 0 : i64, tpu.core_type = #tpu.core_type<tc>} {
    %get3A = arith.constant 0 : index
    %get3A_0 = arith.constant 0 : index
    %get3A_1 = arith.constant 0 : index
    %get3A_2 = vector.load %arg0[%get3A, %get3A_0, %get3A_1] : memref<2x128x128xf32, #tpu.memory_space<vmem>>, vector<1x128x128xf32>
    %get3A_3 = vector.shape_cast %get3A_2 : vector<1x128x128xf32> to vector<128x128xf32>
    %convert_element_type3A = arith.truncf %get3A_3 : vector<128x128xf32> to vector<128x128xbf16>
    %swap3A = arith.constant 0 : index
    %swap3A_4 = arith.constant 0 : index
    %swap3A_5 = vector.load %arg6[%swap3A, %swap3A_4] : memref<128x768xbf16, #tpu.memory_space<vmem>>, vector<128x128xbf16>
    tpu.vector_store %arg6[%swap3A, %swap3A_4], %convert_element_type3A {strides = array<i32>} : memref<128x768xbf16, #tpu.memory_space<vmem>>, vector<128x128xbf16>,
    %get3A_6 = arith.constant 0 : index
    %get3A_7 = arith.constant 0 : index
    %get3A_8 = arith.constant 0 : index
    %get3A_9 = vector.load %arg1[%get3A_6, %get3A_7, %get3A_8] : memref<2x128x128xf32, #tpu.memory_space<vmem>>, vector<1x128x128xf32>
    %get3A_10 = vector.shape_cast %get3A_9 : vector<1x128x128xf32> to vector<128x128xf32>
    %convert_element_type3A_11 = arith.truncf %get3A_10 : vector<128x128xf32> to vector<128x128xbf16>
    %swap3A_12 = arith.constant 0 : index
    %swap3A_13 = arith.constant 0 : index
    %swap3A_14 = vector.load %arg7[%swap3A_12, %swap3A_13] : memref<128x768xbf16, #tpu.memory_space<vmem>>, vector<128x128xbf16>
    tpu.vector_store %arg7[%swap3A_12, %swap3A_13], %convert_element_type3A_11 {strides = array<i32>} : memref<128x768xbf16, #tpu.memory_space<vmem>>, vector<128x128xbf16>,
    %get3A_15 = arith.constant 0 : index
    %get3A_16 = arith.constant 0 : index
    %get3A_17 = arith.constant 0 : index
    %get3A_18 = vector.load %arg2[%get3A_15, %get3A_16, %get3A_17] : memref<2x128x128xf32, #tpu.memory_space<vmem>>, vector<1x128x128xf32>
    %get3A_19 = vector.shape_cast %get3A_18 : vector<1x128x128xf32> to vector<128x128xf32>
    %get3A_20 = arith.constant 0 : index
    %get3A_21 = arith.constant 0 : index
    %get3A_22 = arith.constant 0 : index
    %get3A_23 = vector.load %arg4[%get3A_20, %get3A_21, %get3A_22] : memref<2x256x256xf32, #tpu.memory_space<vmem>>, vector<1x128x256xf32>
    %get3A_24 = vector.shape_cast %get3A_23 : vector<1x128x256xf32> to vector<128x256xf32>
    %dot_general3A = arith.constant dense<0.000000e+00> : vector<128x256xf32>
    %dot_general3A_25 = tpu.matmul %get3A_19, %get3A_24, %dot_general3A {dimension_numbers = #tpu.dot_dimension_numbers<[1], [0], [0], [1], [0, 0, 1, 1], [], []>, transpose_lhs_hint = false} : vector<128x128xf32>, vector<128x256xf32>, vector<128x256xf32> -> vector<128x256xf32>
    %get3A_26 = arith.constant 0 : index
    %get3A_27 = arith.constant 0 : index
    %get3A_28 = arith.constant 0 : index
    %get3A_29 = vector.load %arg3[%get3A_26, %get3A_27, %get3A_28] : memref<2x128x128xf32, #tpu.memory_space<vmem>>, vector<1x128x128xf32>
    %get3A_30 = vector.shape_cast %get3A_29 : vector<1x128x128xf32> to vector<128x128xf32>
    %get3A_31 = arith.constant 0 : index
    %get3A_32 = arith.constant 128 : index
    %get3A_33 = arith.constant 0 : index
    %get3A_34 = vector.load %arg4[%get3A_31, %get3A_32, %get3A_33] : memref<2x256x256xf32, #tpu.memory_space<vmem>>, vector<1x128x256xf32>
    %get3A_35 = vector.shape_cast %get3A_34 : vector<1x128x256xf32> to vector<128x256xf32>
    %dot_general3A_36 = arith.constant dense<0.000000e+00> : vector<128x256xf32>
    %dot_general3A_37 = tpu.matmul %get3A_30, %get3A_35, %dot_general3A_36 {dimension_numbers = #tpu.dot_dimension_numbers<[1], [0], [0], [1], [0, 0, 1, 1], [], []>, transpose_lhs_hint = false} : vector<128x128xf32>, vector<128x256xf32>, vector<128x256xf32> -> vector<128x256xf32>
    %convert_element_type3A_38 = arith.truncf %dot_general3A_25 : vector<128x256xf32> to vector<128x256xbf16>
    %swap3A_39 = arith.constant 0 : index
    %swap3A_40 = arith.constant 256 : index
    %swap3A_41 = vector.load %arg6[%swap3A_39, %swap3A_40] : memref<128x768xbf16, #tpu.memory_space<vmem>>, vector<128x256xbf16>
    tpu.vector_store %arg6[%swap3A_39, %swap3A_40], %convert_element_type3A_38 {strides = array<i32>} : memref<128x768xbf16, #tpu.memory_space<vmem>>, vector<128x256xbf16>,
    %convert_element_type3A_42 = arith.truncf %dot_general3A_37 : vector<128x256xf32> to vector<128x256xbf16>
    %swap3A_43 = arith.constant 0 : index
    %swap3A_44 = arith.constant 256 : index
    %swap3A_45 = vector.load %arg7[%swap3A_43, %swap3A_44] : memref<128x768xbf16, #tpu.memory_space<vmem>>, vector<128x256xbf16>
    tpu.vector_store %arg7[%swap3A_43, %swap3A_44], %convert_element_type3A_42 {strides = array<i32>} : memref<128x768xbf16, #tpu.memory_space<vmem>>, vector<128x256xbf16>,
    %get3A_46 = arith.constant 0 : index
    %get3A_47 = arith.constant 0 : index
    %get3A_48 = arith.constant 0 : index
    %get3A_49 = vector.load %arg5[%get3A_46, %get3A_47, %get3A_48] : memref<2x256x128xf32, #tpu.memory_space<vmem>>, vector<1x256x128xf32>
    %get3A_50 = vector.shape_cast %get3A_49 : vector<1x256x128xf32> to vector<256x128xf32>
    %convert_element_type3A_51 = arith.truncf %get3A_50 : vector<256x128xf32> to vector<256x128xbf16>
    %swap3A_52 = arith.constant 0 : index
    %swap3A_53 = arith.constant 0 : index
    %swap3A_54 = arith.constant 0 : index
    %swap3A_55 = vector.load %arg8[%swap3A_52, %swap3A_53, %swap3A_54] : memref<2x256x128xbf16, #tpu.memory_space<vmem>>, vector<1x256x128xbf16>
    %swap3A_56 = vector.shape_cast %swap3A_55 : vector<1x256x128xbf16> to vector<256x128xbf16>
    %swap3A_57 = vector.shape_cast %convert_element_type3A_51 : vector<256x128xbf16> to vector<1x256x128xbf16>
    tpu.vector_store %arg8[%swap3A_52, %swap3A_53, %swap3A_54], %swap3A_57 {strides = array<i32>} : memref<2x256x128xbf16, #tpu.memory_space<vmem>>, vector<1x256x128xbf16>,
    %get3A_58 = arith.constant 1 : index
    %get3A_59 = arith.constant 0 : index
    %get3A_60 = arith.constant 0 : index
    %get3A_61 = vector.load %arg0[%get3A_58, %get3A_59, %get3A_60] : memref<2x128x128xf32, #tpu.memory_space<vmem>>, vector<1x128x128xf32>
    %get3A_62 = vector.shape_cast %get3A_61 : vector<1x128x128xf32> to vector<128x128xf32>
    %convert_element_type3A_63 = arith.truncf %get3A_62 : vector<128x128xf32> to vector<128x128xbf16>
    %swap3A_64 = arith.constant 0 : index
    %swap3A_65 = arith.constant 128 : index
    %swap3A_66 = vector.load %arg6[%swap3A_64, %swap3A_65] : memref<128x768xbf16, #tpu.memory_space<vmem>>, vector<128x128xbf16>
    tpu.vector_store %arg6[%swap3A_64, %swap3A_65], %convert_element_type3A_63 {strides = array<i32>} : memref<128x768xbf16, #tpu.memory_space<vmem>>, vector<128x128xbf16>,
    %get3A_67 = arith.constant 1 : index
    %get3A_68 = arith.constant 0 : index
    %get3A_69 = arith.constant 0 : index
    %get3A_70 = vector.load %arg1[%get3A_67, %get3A_68, %get3A_69] : memref<2x128x128xf32, #tpu.memory_space<vmem>>, vector<1x128x128xf32>
    %get3A_71 = vector.shape_cast %get3A_70 : vector<1x128x128xf32> to vector<128x128xf32>
    %convert_element_type3A_72 = arith.truncf %get3A_71 : vector<128x128xf32> to vector<128x128xbf16>
    %swap3A_73 = arith.constant 0 : index
    %swap3A_74 = arith.constant 128 : index
    %swap3A_75 = vector.load %arg7[%swap3A_73, %swap3A_74] : memref<128x768xbf16, #tpu.memory_space<vmem>>, vector<128x128xbf16>
    tpu.vector_store %arg7[%swap3A_73, %swap3A_74], %convert_element_type3A_72 {strides = array<i32>} : memref<128x768xbf16, #tpu.memory_space<vmem>>, vector<128x128xbf16>,
    %get3A_76 = arith.constant 1 : index
    %get3A_77 = arith.constant 0 : index
    %get3A_78 = arith.constant 0 : index
    %get3A_79 = vector.load %arg2[%get3A_76, %get3A_77, %get3A_78] : memref<2x128x128xf32, #tpu.memory_space<vmem>>, vector<1x128x128xf32>
    %get3A_80 = vector.shape_cast %get3A_79 : vector<1x128x128xf32> to vector<128x128xf32>
    %get3A_81 = arith.constant 1 : index
    %get3A_82 = arith.constant 0 : index
    %get3A_83 = arith.constant 0 : index
    %get3A_84 = vector.load %arg4[%get3A_81, %get3A_82, %get3A_83] : memref<2x256x256xf32, #tpu.memory_space<vmem>>, vector<1x128x256xf32>
    %get3A_85 = vector.shape_cast %get3A_84 : vector<1x128x256xf32> to vector<128x256xf32>
    %dot_general3A_86 = arith.constant dense<0.000000e+00> : vector<128x256xf32>
    %dot_general3A_87 = tpu.matmul %get3A_80, %get3A_85, %dot_general3A_86 {dimension_numbers = #tpu.dot_dimension_numbers<[1], [0], [0], [1], [0, 0, 1, 1], [], []>, transpose_lhs_hint = false} : vector<128x128xf32>, vector<128x256xf32>, vector<128x256xf32> -> vector<128x256xf32>
    %get3A_88 = arith.constant 1 : index
    %get3A_89 = arith.constant 0 : index
    %get3A_90 = arith.constant 0 : index
    %get3A_91 = vector.load %arg3[%get3A_88, %get3A_89, %get3A_90] : memref<2x128x128xf32, #tpu.memory_space<vmem>>, vector<1x128x128xf32>
    %get3A_92 = vector.shape_cast %get3A_91 : vector<1x128x128xf32> to vector<128x128xf32>
    %get3A_93 = arith.constant 1 : index
    %get3A_94 = arith.constant 128 : index
    %get3A_95 = arith.constant 0 : index
    %get3A_96 = vector.load %arg4[%get3A_93, %get3A_94, %get3A_95] : memref<2x256x256xf32, #tpu.memory_space<vmem>>, vector<1x128x256xf32>
    %get3A_97 = vector.shape_cast %get3A_96 : vector<1x128x256xf32> to vector<128x256xf32>
    %dot_general3A_98 = arith.constant dense<0.000000e+00> : vector<128x256xf32>
    %dot_general3A_99 = tpu.matmul %get3A_92, %get3A_97, %dot_general3A_98 {dimension_numbers = #tpu.dot_dimension_numbers<[1], [0], [0], [1], [0, 0, 1, 1], [], []>, transpose_lhs_hint = false} : vector<128x128xf32>, vector<128x256xf32>, vector<128x256xf32> -> vector<128x256xf32>
    %convert_element_type3A_100 = arith.truncf %dot_general3A_87 : vector<128x256xf32> to vector<128x256xbf16>
    %swap3A_101 = arith.constant 0 : index
    %swap3A_102 = arith.constant 512 : index
    %swap3A_103 = vector.load %arg6[%swap3A_101, %swap3A_102] : memref<128x768xbf16, #tpu.memory_space<vmem>>, vector<128x256xbf16>
    tpu.vector_store %arg6[%swap3A_101, %swap3A_102], %convert_element_type3A_100 {strides = array<i32>} : memref<128x768xbf16, #tpu.memory_space<vmem>>, vector<128x256xbf16>,
    %convert_element_type3A_104 = arith.truncf %dot_general3A_99 : vector<128x256xf32> to vector<128x256xbf16>
    %swap3A_105 = arith.constant 0 : index
    %swap3A_106 = arith.constant 512 : index
    %swap3A_107 = vector.load %arg7[%swap3A_105, %swap3A_106] : memref<128x768xbf16, #tpu.memory_space<vmem>>, vector<128x256xbf16>
    tpu.vector_store %arg7[%swap3A_105, %swap3A_106], %convert_element_type3A_104 {strides = array<i32>} : memref<128x768xbf16, #tpu.memory_space<vmem>>, vector<128x256xbf16>,
    %get3A_108 = arith.constant 1 : index
    %get3A_109 = arith.constant 0 : index
    %get3A_110 = arith.constant 0 : index
    %get3A_111 = vector.load %arg5[%get3A_108, %get3A_109, %get3A_110] : memref<2x256x128xf32, #tpu.memory_space<vmem>>, vector<1x256x128xf32>
    %get3A_112 = vector.shape_cast %get3A_111 : vector<1x256x128xf32> to vector<256x128xf32>
    %convert_element_type3A_113 = arith.truncf %get3A_112 : vector<256x128xf32> to vector<256x128xbf16>
    %swap3A_114 = arith.constant 1 : index
    %swap3A_115 = arith.constant 0 : index
    %swap3A_116 = arith.constant 0 : index
    %swap3A_117 = vector.load %arg8[%swap3A_114, %swap3A_115, %swap3A_116] : memref<2x256x128xbf16, #tpu.memory_space<vmem>>, vector<1x256x128xbf16>
    %swap3A_118 = vector.shape_cast %swap3A_117 : vector<1x256x128xbf16> to vector<256x128xbf16>
    %swap3A_119 = vector.shape_cast %convert_element_type3A_113 : vector<256x128xbf16> to vector<1x256x128xbf16>
    tpu.vector_store %arg8[%swap3A_114, %swap3A_115, %swap3A_116], %swap3A_119 {strides = array<i32>} : memref<2x256x128xbf16, #tpu.memory_space<vmem>>, vector<1x256x128xbf16>,
    return
  }
}

module attributes {stable_mosaic.version = 14 : i64} {
  func.func @_edge_body(%arg0: i32, %arg1: memref<1024x128xf32, #tpu.memory_space<vmem>>, %arg2: memref<1024x128xf32, #tpu.memory_space<vmem>>, %arg3: memref<1024x128xf32, #tpu.memory_space<vmem>>, %arg4: memref<128x768xbf16, #tpu.memory_space<vmem>>, %arg5: memref<128x768xbf16, #tpu.memory_space<vmem>>, %arg6: memref<2x256x128xbf16, #tpu.memory_space<vmem>>, %arg7: memref<2x256xf32, #tpu.memory_space<vmem>>, %arg8: memref<2x256xf32, #tpu.memory_space<vmem>>, %arg9: memref<2x256xf32, #tpu.memory_space<vmem>>, %arg10: memref<2x128xf32, #tpu.memory_space<vmem>>, %arg11: memref<2x128xf32, #tpu.memory_space<vmem>>, %arg12: memref<2x128xf32, #tpu.memory_space<vmem>>, %arg13: memref<2x1024x128xf32, #tpu.memory_space<vmem>>) attributes {dimension_semantics = [#tpu.dimension_semantics<arbitrary>], iteration_bounds = array<i64: 160>, scalar_prefetch = 0 : i64, scratch_operands = 0 : i64, tpu.core_type = #tpu.core_type<tc>, window_params = [{transform_indices = @transform_0, window_bounds = array<i64: 1024, 128>}, {transform_indices = @transform_1, window_bounds = array<i64: 1024, 128>}, {transform_indices = @transform_2, window_bounds = array<i64: 1024, 128>}, {pipeline_mode = #tpu.pipeline_mode<synchronous>, transform_indices = @transform_3, window_bounds = array<i64: 128, 768>}, {pipeline_mode = #tpu.pipeline_mode<synchronous>, transform_indices = @transform_4, window_bounds = array<i64: 128, 768>}, {pipeline_mode = #tpu.pipeline_mode<synchronous>, transform_indices = @transform_5, window_bounds = array<i64: 2, 256, 128>}, {pipeline_mode = #tpu.pipeline_mode<synchronous>, transform_indices = @transform_6, window_bounds = array<i64: 2, 256>}, {pipeline_mode = #tpu.pipeline_mode<synchronous>, transform_indices = @transform_7, window_bounds = array<i64: 2, 256>}, {pipeline_mode = #tpu.pipeline_mode<synchronous>, transform_indices = @transform_8, window_bounds = array<i64: 2, 256>}, {pipeline_mode = #tpu.pipeline_mode<synchronous>, transform_indices = @transform_9, window_bounds = array<i64: 2, 128>}, {pipeline_mode = #tpu.pipeline_mode<synchronous>, transform_indices = @transform_10, window_bounds = array<i64: 2, 128>}, {pipeline_mode = #tpu.pipeline_mode<synchronous>, transform_indices = @transform_11, window_bounds = array<i64: 2, 128>}, {transform_indices = @transform_12, window_bounds = array<i64: 2, 1024, 128>}]} {
    %get3A = arith.constant 0 : index
    %get3A_0 = arith.constant 0 : index
    %get3A_1 = vector.load %arg1[%get3A, %get3A_0] : memref<1024x128xf32, #tpu.memory_space<vmem>>, vector<1024x128xf32>
    %convert_element_type3A = arith.truncf %get3A_1 : vector<1024x128xf32> to vector<1024x128xbf16>
    %get3A_2 = arith.constant 0 : index
    %get3A_3 = arith.constant 0 : index
    %get3A_4 = vector.load %arg2[%get3A_2, %get3A_3] : memref<1024x128xf32, #tpu.memory_space<vmem>>, vector<1024x128xf32>
    %convert_element_type3A_5 = arith.truncf %get3A_4 : vector<1024x128xf32> to vector<1024x128xbf16>
    %get3A_6 = arith.constant 0 : index
    %get3A_7 = arith.constant 0 : index
    %get3A_8 = vector.load %arg3[%get3A_6, %get3A_7] : memref<1024x128xf32, #tpu.memory_space<vmem>>, vector<1024x128xf32>
    %convert_element_type3A_9 = arith.truncf %get3A_8 : vector<1024x128xf32> to vector<1024x128xbf16>
    %get3A_10 = arith.constant 0 : index
    %get3A_11 = arith.constant 0 : index
    %get3A_12 = vector.load %arg4[%get3A_10, %get3A_11] : memref<128x768xbf16, #tpu.memory_space<vmem>>, vector<128x768xbf16>
    %dot_general3A = arith.constant dense<0.000000e+00> : vector<1024x768xf32>
    %dot_general3A_13 = tpu.matmul %convert_element_type3A, %get3A_12, %dot_general3A {dimension_numbers = #tpu.dot_dimension_numbers<[1], [0], [0], [1], [0, 0, 1, 1], [], []>, transpose_lhs_hint = false} : vector<1024x128xbf16>, vector<128x768xbf16>, vector<1024x768xf32> -> vector<1024x768xf32>
    %get3A_14 = arith.constant 0 : index
    %get3A_15 = arith.constant 0 : index
    %get3A_16 = vector.load %arg4[%get3A_14, %get3A_15] : memref<128x768xbf16, #tpu.memory_space<vmem>>, vector<128x256xbf16>
    %dot_general3A_17 = arith.constant dense<0.000000e+00> : vector<1024x256xf32>
    %dot_general3A_18 = tpu.matmul %convert_element_type3A_5, %get3A_16, %dot_general3A_17 {dimension_numbers = #tpu.dot_dimension_numbers<[1], [0], [0], [1], [0, 0, 1, 1], [], []>, transpose_lhs_hint = false} : vector<1024x128xbf16>, vector<128x256xbf16>, vector<1024x256xf32> -> vector<1024x256xf32>
    %get3A_19 = arith.constant 0 : index
    %get3A_20 = arith.constant 0 : index
    %get3A_21 = vector.load %arg5[%get3A_19, %get3A_20] : memref<128x768xbf16, #tpu.memory_space<vmem>>, vector<128x768xbf16>
    %dot_general3A_22 = arith.constant dense<0.000000e+00> : vector<1024x768xf32>
    %dot_general3A_23 = tpu.matmul %convert_element_type3A_9, %get3A_21, %dot_general3A_22 {dimension_numbers = #tpu.dot_dimension_numbers<[1], [0], [0], [1], [0, 0, 1, 1], [], []>, transpose_lhs_hint = false} : vector<1024x128xbf16>, vector<128x768xbf16>, vector<1024x768xf32> -> vector<1024x768xf32>
    %slice3A = vector.extract_strided_slice %dot_general3A_18 {offsets = [0, 0], sizes = [1024, 128], strides = [1, 1]} : vector<1024x256xf32> to vector<1024x128xf32>
    %slice3A_24 = vector.extract_strided_slice %dot_general3A_13 {offsets = [0, 0], sizes = [1024, 128], strides = [1, 1]} : vector<1024x768xf32> to vector<1024x128xf32>
    %slice3A_25 = vector.extract_strided_slice %dot_general3A_23 {offsets = [0, 0], sizes = [1024, 128], strides = [1, 1]} : vector<1024x768xf32> to vector<1024x128xf32>
    %mul3A = arith.mulf %slice3A, %slice3A_24 : vector<1024x128xf32>
    %mul3A_26 = arith.mulf %slice3A, %slice3A_25 : vector<1024x128xf32>
    %concatenate3A = tpu.concatenate %mul3A, %mul3A_26 in 1 : vector<1024x128xf32>, vector<1024x128xf32> -> vector<1024x256xf32>
    %mul3A_27 = arith.constant 6.250000e-02 : f32
    %mul3A_28 = vector.broadcast %mul3A_27 : f32 to vector<1024x256xf32>
    %mul3A_29 = arith.mulf %concatenate3A, %mul3A_28 : vector<1024x256xf32>
    %get3A_30 = arith.constant 0 : index
    %get3A_31 = arith.constant 0 : index
    %get3A_32 = vector.load %arg8[%get3A_30, %get3A_31] : memref<2x256xf32, #tpu.memory_space<vmem>>, vector<1x256xf32>
    %get3A_33 = arith.constant 0 : index
    %get3A_34 = arith.constant 0 : index
    %get3A_35 = vector.load %arg9[%get3A_33, %get3A_34] : memref<2x256xf32, #tpu.memory_space<vmem>>, vector<1x256xf32>
    %reduce_sum3A = arith.constant dense<0.000000e+00> : vector<1024xf32>
    %reduce_sum3A_36 = vector.multi_reduction <add>, %mul3A_29, %reduce_sum3A [1] : vector<1024x256xf32> to vector<1024xf32>
    %broadcast_in_dim3A = vector.shape_cast %reduce_sum3A_36 : vector<1024xf32> to vector<1024x1xf32>
    %div3A = arith.constant 2.560000e+02 : f32
    %div3A_37 = vector.broadcast %div3A : f32 to vector<1024x1xf32>
    %div3A_38 = arith.divf %broadcast_in_dim3A, %div3A_37 : vector<1024x1xf32>
    %mul3A_39 = arith.mulf %mul3A_29, %mul3A_29 : vector<1024x256xf32>
    %reduce_sum3A_40 = arith.constant dense<0.000000e+00> : vector<1024xf32>
    %reduce_sum3A_41 = vector.multi_reduction <add>, %mul3A_39, %reduce_sum3A_40 [1] : vector<1024x256xf32> to vector<1024xf32>
    %broadcast_in_dim3A_42 = vector.shape_cast %reduce_sum3A_41 : vector<1024xf32> to vector<1024x1xf32>
    %div3A_43 = arith.constant 2.560000e+02 : f32
    %div3A_44 = vector.broadcast %div3A_43 : f32 to vector<1024x1xf32>
    %div3A_45 = arith.divf %broadcast_in_dim3A_42, %div3A_44 : vector<1024x1xf32>
    %mul3A_46 = arith.mulf %div3A_38, %div3A_38 : vector<1024x1xf32>
    %sub3A = arith.subf %div3A_45, %mul3A_46 : vector<1024x1xf32>
    %sub3A_47 = vector.broadcast %div3A_38 : vector<1024x1xf32> to vector<1024x256xf32>
    %sub3A_48 = arith.subf %mul3A_29, %sub3A_47 : vector<1024x256xf32>
    %add3A = arith.constant 9.99999974E-6 : f32
    %add3A_49 = vector.broadcast %add3A : f32 to vector<1024x1xf32>
    %add3A_50 = arith.addf %sub3A, %add3A_49 : vector<1024x1xf32>
    %rsqrt3A = math.rsqrt %add3A_50 : vector<1024x1xf32>
    %mul3A_51 = vector.broadcast %rsqrt3A : vector<1024x1xf32> to vector<1024x256xf32>
    %mul3A_52 = arith.mulf %sub3A_48, %mul3A_51 : vector<1024x256xf32>
    %mul3A_53 = vector.broadcast %get3A_32 : vector<1x256xf32> to vector<1024x256xf32>
    %mul3A_54 = arith.mulf %mul3A_52, %mul3A_53 : vector<1024x256xf32>
    %add3A_55 = vector.broadcast %get3A_35 : vector<1x256xf32> to vector<1024x256xf32>
    %add3A_56 = arith.addf %mul3A_54, %add3A_55 : vector<1024x256xf32>
    %neg3A = arith.constant 0.000000e+00 : f32
    %neg3A_57 = vector.broadcast %neg3A : f32 to vector<1024x256xf32>
    %neg3A_58 = arith.subf %neg3A_57, %add3A_56 : vector<1024x256xf32>
    %exp3A = math.exp %neg3A_58 : vector<1024x256xf32>
    %add3A_59 = arith.constant 1.000000e+00 : f32
    %add3A_60 = vector.broadcast %add3A_59 : f32 to vector<1024x256xf32>
    %add3A_61 = arith.addf %add3A_60, %exp3A : vector<1024x256xf32>
    %div3A_62 = arith.constant 1.000000e+00 : f32
    %div3A_63 = vector.broadcast %div3A_62 : f32 to vector<1024x256xf32>
    %div3A_64 = arith.divf %div3A_63, %add3A_61 : vector<1024x256xf32>
    %slice3A_65 = vector.extract_strided_slice %dot_general3A_13 {offsets = [0, 256], sizes = [1024, 256], strides = [1, 1]} : vector<1024x768xf32> to vector<1024x256xf32>
    %slice3A_66 = vector.extract_strided_slice %dot_general3A_23 {offsets = [0, 256], sizes = [1024, 256], strides = [1, 1]} : vector<1024x768xf32> to vector<1024x256xf32>
    %add3A_67 = arith.addf %slice3A_65, %slice3A_66 : vector<1024x256xf32>
    %get3A_68 = arith.constant 0 : index
    %get3A_69 = arith.constant 0 : index
    %get3A_70 = vector.load %arg7[%get3A_68, %get3A_69] : memref<2x256xf32, #tpu.memory_space<vmem>>, vector<1x256xf32>
    %add3A_71 = vector.broadcast %get3A_70 : vector<1x256xf32> to vector<1024x256xf32>
    %add3A_72 = arith.addf %add3A_67, %add3A_71 : vector<1024x256xf32>
    %mul3A_73 = arith.mulf %add3A_72, %div3A_64 : vector<1024x256xf32>
    %convert_element_type3A_74 = arith.truncf %mul3A_73 : vector<1024x256xf32> to vector<1024x256xbf16>
    %get3A_75 = arith.constant 0 : index
    %get3A_76 = arith.constant 0 : index
    %get3A_77 = arith.constant 0 : index
    %get3A_78 = vector.load %arg6[%get3A_75, %get3A_76, %get3A_77] : memref<2x256x128xbf16, #tpu.memory_space<vmem>>, vector<1x256x128xbf16>
    %get3A_79 = vector.shape_cast %get3A_78 : vector<1x256x128xbf16> to vector<256x128xbf16>
    %dot_general3A_80 = arith.constant dense<0.000000e+00> : vector<1024x128xf32>
    %dot_general3A_81 = tpu.matmul %convert_element_type3A_74, %get3A_79, %dot_general3A_80 {dimension_numbers = #tpu.dot_dimension_numbers<[1], [0], [0], [1], [0, 0, 1, 1], [], []>, transpose_lhs_hint = false} : vector<1024x256xbf16>, vector<256x128xbf16>, vector<1024x128xf32> -> vector<1024x128xf32>
    %get3A_82 = arith.constant 0 : index
    %get3A_83 = arith.constant 0 : index
    %get3A_84 = vector.load %arg10[%get3A_82, %get3A_83] : memref<2x128xf32, #tpu.memory_space<vmem>>, vector<1x128xf32>
    %add3A_85 = vector.broadcast %get3A_84 : vector<1x128xf32> to vector<1024x128xf32>
    %add3A_86 = arith.addf %dot_general3A_81, %add3A_85 : vector<1024x128xf32>
    %get3A_87 = arith.constant 0 : index
    %get3A_88 = arith.constant 0 : index
    %get3A_89 = vector.load %arg11[%get3A_87, %get3A_88] : memref<2x128xf32, #tpu.memory_space<vmem>>, vector<1x128xf32>
    %get3A_90 = arith.constant 0 : index
    %get3A_91 = arith.constant 0 : index
    %get3A_92 = vector.load %arg12[%get3A_90, %get3A_91] : memref<2x128xf32, #tpu.memory_space<vmem>>, vector<1x128xf32>
    %reduce_sum3A_93 = arith.constant dense<0.000000e+00> : vector<1024xf32>
    %reduce_sum3A_94 = vector.multi_reduction <add>, %add3A_86, %reduce_sum3A_93 [1] : vector<1024x128xf32> to vector<1024xf32>
    %broadcast_in_dim3A_95 = vector.shape_cast %reduce_sum3A_94 : vector<1024xf32> to vector<1024x1xf32>
    %div3A_96 = arith.constant 1.280000e+02 : f32
    %div3A_97 = vector.broadcast %div3A_96 : f32 to vector<1024x1xf32>
    %div3A_98 = arith.divf %broadcast_in_dim3A_95, %div3A_97 : vector<1024x1xf32>
    %mul3A_99 = arith.mulf %add3A_86, %add3A_86 : vector<1024x128xf32>
    %reduce_sum3A_100 = arith.constant dense<0.000000e+00> : vector<1024xf32>
    %reduce_sum3A_101 = vector.multi_reduction <add>, %mul3A_99, %reduce_sum3A_100 [1] : vector<1024x128xf32> to vector<1024xf32>
    %broadcast_in_dim3A_102 = vector.shape_cast %reduce_sum3A_101 : vector<1024xf32> to vector<1024x1xf32>
    %div3A_103 = arith.constant 1.280000e+02 : f32
    %div3A_104 = vector.broadcast %div3A_103 : f32 to vector<1024x1xf32>
    %div3A_105 = arith.divf %broadcast_in_dim3A_102, %div3A_104 : vector<1024x1xf32>
    %mul3A_106 = arith.mulf %div3A_98, %div3A_98 : vector<1024x1xf32>
    %sub3A_107 = arith.subf %div3A_105, %mul3A_106 : vector<1024x1xf32>
    %sub3A_108 = vector.broadcast %div3A_98 : vector<1024x1xf32> to vector<1024x128xf32>
    %sub3A_109 = arith.subf %add3A_86, %sub3A_108 : vector<1024x128xf32>
    %add3A_110 = arith.constant 9.99999974E-6 : f32
    %add3A_111 = vector.broadcast %add3A_110 : f32 to vector<1024x1xf32>
    %add3A_112 = arith.addf %sub3A_107, %add3A_111 : vector<1024x1xf32>
    %rsqrt3A_113 = math.rsqrt %add3A_112 : vector<1024x1xf32>
    %mul3A_114 = vector.broadcast %rsqrt3A_113 : vector<1024x1xf32> to vector<1024x128xf32>
    %mul3A_115 = arith.mulf %sub3A_109, %mul3A_114 : vector<1024x128xf32>
    %mul3A_116 = vector.broadcast %get3A_89 : vector<1x128xf32> to vector<1024x128xf32>
    %mul3A_117 = arith.mulf %mul3A_115, %mul3A_116 : vector<1024x128xf32>
    %add3A_118 = vector.broadcast %get3A_92 : vector<1x128xf32> to vector<1024x128xf32>
    %add3A_119 = arith.addf %mul3A_117, %add3A_118 : vector<1024x128xf32>
    %ge3A = arith.constant 0.000000e+00 : f32
    %ge3A_120 = vector.broadcast %ge3A : f32 to vector<1024x128xf32>
    %ge3A_121 = arith.cmpf oge, %add3A_119, %ge3A_120 : vector<1024x128xf32>
    %mul3A_122 = arith.constant 0.00999999977 : f32
    %mul3A_123 = vector.broadcast %mul3A_122 : f32 to vector<1024x128xf32>
    %mul3A_124 = arith.mulf %mul3A_123, %add3A_119 : vector<1024x128xf32>
    %select_n3A = arith.select %ge3A_121, %add3A_119, %mul3A_124 : vector<1024x128xi1>, vector<1024x128xf32>
    %swap3A = arith.constant 0 : index
    %swap3A_125 = arith.constant 0 : index
    %swap3A_126 = arith.constant 0 : index
    %swap3A_127 = vector.load %arg13[%swap3A, %swap3A_125, %swap3A_126] : memref<2x1024x128xf32, #tpu.memory_space<vmem>>, vector<1x1024x128xf32>
    %swap3A_128 = vector.shape_cast %swap3A_127 : vector<1x1024x128xf32> to vector<1024x128xf32>
    %swap3A_129 = vector.shape_cast %select_n3A : vector<1024x128xf32> to vector<1x1024x128xf32>
    tpu.vector_store %arg13[%swap3A, %swap3A_125, %swap3A_126], %swap3A_129 {strides = array<i32>} : memref<2x1024x128xf32, #tpu.memory_space<vmem>>, vector<1x1024x128xf32>,
    %slice3A_130 = vector.extract_strided_slice %dot_general3A_18 {offsets = [0, 128], sizes = [1024, 128], strides = [1, 1]} : vector<1024x256xf32> to vector<1024x128xf32>
    %slice3A_131 = vector.extract_strided_slice %dot_general3A_13 {offsets = [0, 128], sizes = [1024, 128], strides = [1, 1]} : vector<1024x768xf32> to vector<1024x128xf32>
    %slice3A_132 = vector.extract_strided_slice %dot_general3A_23 {offsets = [0, 128], sizes = [1024, 128], strides = [1, 1]} : vector<1024x768xf32> to vector<1024x128xf32>
    %mul3A_133 = arith.mulf %slice3A_130, %slice3A_131 : vector<1024x128xf32>
    %mul3A_134 = arith.mulf %slice3A_130, %slice3A_132 : vector<1024x128xf32>
    %concatenate3A_135 = tpu.concatenate %mul3A_133, %mul3A_134 in 1 : vector<1024x128xf32>, vector<1024x128xf32> -> vector<1024x256xf32>
    %mul3A_136 = arith.constant 6.250000e-02 : f32
    %mul3A_137 = vector.broadcast %mul3A_136 : f32 to vector<1024x256xf32>
    %mul3A_138 = arith.mulf %concatenate3A_135, %mul3A_137 : vector<1024x256xf32>
    %get3A_139 = arith.constant 1 : index
    %get3A_140 = arith.constant 0 : index
    %get3A_141 = vector.load %arg8[%get3A_139, %get3A_140] : memref<2x256xf32, #tpu.memory_space<vmem>>, vector<1x256xf32>
    %get3A_142 = arith.constant 1 : index
    %get3A_143 = arith.constant 0 : index
    %get3A_144 = vector.load %arg9[%get3A_142, %get3A_143] : memref<2x256xf32, #tpu.memory_space<vmem>>, vector<1x256xf32>
    %reduce_sum3A_145 = arith.constant dense<0.000000e+00> : vector<1024xf32>
    %reduce_sum3A_146 = vector.multi_reduction <add>, %mul3A_138, %reduce_sum3A_145 [1] : vector<1024x256xf32> to vector<1024xf32>
    %broadcast_in_dim3A_147 = vector.shape_cast %reduce_sum3A_146 : vector<1024xf32> to vector<1024x1xf32>
    %div3A_148 = arith.constant 2.560000e+02 : f32
    %div3A_149 = vector.broadcast %div3A_148 : f32 to vector<1024x1xf32>
    %div3A_150 = arith.divf %broadcast_in_dim3A_147, %div3A_149 : vector<1024x1xf32>
    %mul3A_151 = arith.mulf %mul3A_138, %mul3A_138 : vector<1024x256xf32>
    %reduce_sum3A_152 = arith.constant dense<0.000000e+00> : vector<1024xf32>
    %reduce_sum3A_153 = vector.multi_reduction <add>, %mul3A_151, %reduce_sum3A_152 [1] : vector<1024x256xf32> to vector<1024xf32>
    %broadcast_in_dim3A_154 = vector.shape_cast %reduce_sum3A_153 : vector<1024xf32> to vector<1024x1xf32>
    %div3A_155 = arith.constant 2.560000e+02 : f32
    %div3A_156 = vector.broadcast %div3A_155 : f32 to vector<1024x1xf32>
    %div3A_157 = arith.divf %broadcast_in_dim3A_154, %div3A_156 : vector<1024x1xf32>
    %mul3A_158 = arith.mulf %div3A_150, %div3A_150 : vector<1024x1xf32>
    %sub3A_159 = arith.subf %div3A_157, %mul3A_158 : vector<1024x1xf32>
    %sub3A_160 = vector.broadcast %div3A_150 : vector<1024x1xf32> to vector<1024x256xf32>
    %sub3A_161 = arith.subf %mul3A_138, %sub3A_160 : vector<1024x256xf32>
    %add3A_162 = arith.constant 9.99999974E-6 : f32
    %add3A_163 = vector.broadcast %add3A_162 : f32 to vector<1024x1xf32>
    %add3A_164 = arith.addf %sub3A_159, %add3A_163 : vector<1024x1xf32>
    %rsqrt3A_165 = math.rsqrt %add3A_164 : vector<1024x1xf32>
    %mul3A_166 = vector.broadcast %rsqrt3A_165 : vector<1024x1xf32> to vector<1024x256xf32>
    %mul3A_167 = arith.mulf %sub3A_161, %mul3A_166 : vector<1024x256xf32>
    %mul3A_168 = vector.broadcast %get3A_141 : vector<1x256xf32> to vector<1024x256xf32>
    %mul3A_169 = arith.mulf %mul3A_167, %mul3A_168 : vector<1024x256xf32>
    %add3A_170 = vector.broadcast %get3A_144 : vector<1x256xf32> to vector<1024x256xf32>
    %add3A_171 = arith.addf %mul3A_169, %add3A_170 : vector<1024x256xf32>
    %neg3A_172 = arith.constant 0.000000e+00 : f32
    %neg3A_173 = vector.broadcast %neg3A_172 : f32 to vector<1024x256xf32>
    %neg3A_174 = arith.subf %neg3A_173, %add3A_171 : vector<1024x256xf32>
    %exp3A_175 = math.exp %neg3A_174 : vector<1024x256xf32>
    %add3A_176 = arith.constant 1.000000e+00 : f32
    %add3A_177 = vector.broadcast %add3A_176 : f32 to vector<1024x256xf32>
    %add3A_178 = arith.addf %add3A_177, %exp3A_175 : vector<1024x256xf32>
    %div3A_179 = arith.constant 1.000000e+00 : f32
    %div3A_180 = vector.broadcast %div3A_179 : f32 to vector<1024x256xf32>
    %div3A_181 = arith.divf %div3A_180, %add3A_178 : vector<1024x256xf32>
    %slice3A_182 = vector.extract_strided_slice %dot_general3A_13 {offsets = [0, 512], sizes = [1024, 256], strides = [1, 1]} : vector<1024x768xf32> to vector<1024x256xf32>
    %slice3A_183 = vector.extract_strided_slice %dot_general3A_23 {offsets = [0, 512], sizes = [1024, 256], strides = [1, 1]} : vector<1024x768xf32> to vector<1024x256xf32>
    %add3A_184 = arith.addf %slice3A_182, %slice3A_183 : vector<1024x256xf32>
    %get3A_185 = arith.constant 1 : index
    %get3A_186 = arith.constant 0 : index
    %get3A_187 = vector.load %arg7[%get3A_185, %get3A_186] : memref<2x256xf32, #tpu.memory_space<vmem>>, vector<1x256xf32>
    %add3A_188 = vector.broadcast %get3A_187 : vector<1x256xf32> to vector<1024x256xf32>
    %add3A_189 = arith.addf %add3A_184, %add3A_188 : vector<1024x256xf32>
    %mul3A_190 = arith.mulf %add3A_189, %div3A_181 : vector<1024x256xf32>
    %convert_element_type3A_191 = arith.truncf %mul3A_190 : vector<1024x256xf32> to vector<1024x256xbf16>
    %get3A_192 = arith.constant 1 : index
    %get3A_193 = arith.constant 0 : index
    %get3A_194 = arith.constant 0 : index
    %get3A_195 = vector.load %arg6[%get3A_192, %get3A_193, %get3A_194] : memref<2x256x128xbf16, #tpu.memory_space<vmem>>, vector<1x256x128xbf16>
    %get3A_196 = vector.shape_cast %get3A_195 : vector<1x256x128xbf16> to vector<256x128xbf16>
    %dot_general3A_197 = arith.constant dense<0.000000e+00> : vector<1024x128xf32>
    %dot_general3A_198 = tpu.matmul %convert_element_type3A_191, %get3A_196, %dot_general3A_197 {dimension_numbers = #tpu.dot_dimension_numbers<[1], [0], [0], [1], [0, 0, 1, 1], [], []>, transpose_lhs_hint = false} : vector<1024x256xbf16>, vector<256x128xbf16>, vector<1024x128xf32> -> vector<1024x128xf32>
    %get3A_199 = arith.constant 1 : index
    %get3A_200 = arith.constant 0 : index
    %get3A_201 = vector.load %arg10[%get3A_199, %get3A_200] : memref<2x128xf32, #tpu.memory_space<vmem>>, vector<1x128xf32>
    %add3A_202 = vector.broadcast %get3A_201 : vector<1x128xf32> to vector<1024x128xf32>
    %add3A_203 = arith.addf %dot_general3A_198, %add3A_202 : vector<1024x128xf32>
    %get3A_204 = arith.constant 1 : index
    %get3A_205 = arith.constant 0 : index
    %get3A_206 = vector.load %arg11[%get3A_204, %get3A_205] : memref<2x128xf32, #tpu.memory_space<vmem>>, vector<1x128xf32>
    %get3A_207 = arith.constant 1 : index
    %get3A_208 = arith.constant 0 : index
    %get3A_209 = vector.load %arg12[%get3A_207, %get3A_208] : memref<2x128xf32, #tpu.memory_space<vmem>>, vector<1x128xf32>
    %reduce_sum3A_210 = arith.constant dense<0.000000e+00> : vector<1024xf32>
    %reduce_sum3A_211 = vector.multi_reduction <add>, %add3A_203, %reduce_sum3A_210 [1] : vector<1024x128xf32> to vector<1024xf32>
    %broadcast_in_dim3A_212 = vector.shape_cast %reduce_sum3A_211 : vector<1024xf32> to vector<1024x1xf32>
    %div3A_213 = arith.constant 1.280000e+02 : f32
    %div3A_214 = vector.broadcast %div3A_213 : f32 to vector<1024x1xf32>
    %div3A_215 = arith.divf %broadcast_in_dim3A_212, %div3A_214 : vector<1024x1xf32>
    %mul3A_216 = arith.mulf %add3A_203, %add3A_203 : vector<1024x128xf32>
    %reduce_sum3A_217 = arith.constant dense<0.000000e+00> : vector<1024xf32>
    %reduce_sum3A_218 = vector.multi_reduction <add>, %mul3A_216, %reduce_sum3A_217 [1] : vector<1024x128xf32> to vector<1024xf32>
    %broadcast_in_dim3A_219 = vector.shape_cast %reduce_sum3A_218 : vector<1024xf32> to vector<1024x1xf32>
    %div3A_220 = arith.constant 1.280000e+02 : f32
    %div3A_221 = vector.broadcast %div3A_220 : f32 to vector<1024x1xf32>
    %div3A_222 = arith.divf %broadcast_in_dim3A_219, %div3A_221 : vector<1024x1xf32>
    %mul3A_223 = arith.mulf %div3A_215, %div3A_215 : vector<1024x1xf32>
    %sub3A_224 = arith.subf %div3A_222, %mul3A_223 : vector<1024x1xf32>
    %sub3A_225 = vector.broadcast %div3A_215 : vector<1024x1xf32> to vector<1024x128xf32>
    %sub3A_226 = arith.subf %add3A_203, %sub3A_225 : vector<1024x128xf32>
    %add3A_227 = arith.constant 9.99999974E-6 : f32
    %add3A_228 = vector.broadcast %add3A_227 : f32 to vector<1024x1xf32>
    %add3A_229 = arith.addf %sub3A_224, %add3A_228 : vector<1024x1xf32>
    %rsqrt3A_230 = math.rsqrt %add3A_229 : vector<1024x1xf32>
    %mul3A_231 = vector.broadcast %rsqrt3A_230 : vector<1024x1xf32> to vector<1024x128xf32>
    %mul3A_232 = arith.mulf %sub3A_226, %mul3A_231 : vector<1024x128xf32>
    %mul3A_233 = vector.broadcast %get3A_206 : vector<1x128xf32> to vector<1024x128xf32>
    %mul3A_234 = arith.mulf %mul3A_232, %mul3A_233 : vector<1024x128xf32>
    %add3A_235 = vector.broadcast %get3A_209 : vector<1x128xf32> to vector<1024x128xf32>
    %add3A_236 = arith.addf %mul3A_234, %add3A_235 : vector<1024x128xf32>
    %ge3A_237 = arith.constant 0.000000e+00 : f32
    %ge3A_238 = vector.broadcast %ge3A_237 : f32 to vector<1024x128xf32>
    %ge3A_239 = arith.cmpf oge, %add3A_236, %ge3A_238 : vector<1024x128xf32>
    %mul3A_240 = arith.constant 0.00999999977 : f32
    %mul3A_241 = vector.broadcast %mul3A_240 : f32 to vector<1024x128xf32>
    %mul3A_242 = arith.mulf %mul3A_241, %add3A_236 : vector<1024x128xf32>
    %select_n3A_243 = arith.select %ge3A_239, %add3A_236, %mul3A_242 : vector<1024x128xi1>, vector<1024x128xf32>
    %swap3A_244 = arith.constant 1 : index
    %swap3A_245 = arith.constant 0 : index
    %swap3A_246 = arith.constant 0 : index
    %swap3A_247 = vector.load %arg13[%swap3A_244, %swap3A_245, %swap3A_246] : memref<2x1024x128xf32, #tpu.memory_space<vmem>>, vector<1x1024x128xf32>
    %swap3A_248 = vector.shape_cast %swap3A_247 : vector<1x1024x128xf32> to vector<1024x128xf32>
    %swap3A_249 = vector.shape_cast %select_n3A_243 : vector<1024x128xf32> to vector<1x1024x128xf32>
    tpu.vector_store %arg13[%swap3A_244, %swap3A_245, %swap3A_246], %swap3A_249 {strides = array<i32>} : memref<2x1024x128xf32, #tpu.memory_space<vmem>>, vector<1x1024x128xf32>,
    return
  }
  func.func @transform_0(%arg0: i32) -> (i32, i32) {
    %c0_i32 = arith.constant 0 : i32
    %c0_i32_0 = arith.constant 0 : i32
    return %arg0, %c0_i32 : i32, i32
  }
  func.func @transform_1(%arg0: i32) -> (i32, i32) {
    %c0_i32 = arith.constant 0 : i32
    %c0_i32_0 = arith.constant 0 : i32
    return %arg0, %c0_i32 : i32, i32
  }
  func.func @transform_2(%arg0: i32) -> (i32, i32) {
    %c0_i32 = arith.constant 0 : i32
    %c0_i32_0 = arith.constant 0 : i32
    return %arg0, %c0_i32 : i32, i32
  }
  func.func @transform_3(%arg0: i32) -> (i32, i32) {
    %c0_i32 = arith.constant 0 : i32
    %c0_i32_0 = arith.constant 0 : i32
    %c0_i32_1 = arith.constant 0 : i32
    return %c0_i32, %c0_i32_0 : i32, i32
  }
  func.func @transform_4(%arg0: i32) -> (i32, i32) {
    %c0_i32 = arith.constant 0 : i32
    %c0_i32_0 = arith.constant 0 : i32
    %c0_i32_1 = arith.constant 0 : i32
    return %c0_i32, %c0_i32_0 : i32, i32
  }
  func.func @transform_5(%arg0: i32) -> (i32, i32, i32) {
    %c0_i32 = arith.constant 0 : i32
    %c0_i32_0 = arith.constant 0 : i32
    %c0_i32_1 = arith.constant 0 : i32
    %c0_i32_2 = arith.constant 0 : i32
    return %c0_i32, %c0_i32_0, %c0_i32_1 : i32, i32, i32
  }
  func.func @transform_6(%arg0: i32) -> (i32, i32) {
    %c0_i32 = arith.constant 0 : i32
    %c0_i32_0 = arith.constant 0 : i32
    %c0_i32_1 = arith.constant 0 : i32
    return %c0_i32, %c0_i32_0 : i32, i32
  }
  func.func @transform_7(%arg0: i32) -> (i32, i32) {
    %c0_i32 = arith.constant 0 : i32
    %c0_i32_0 = arith.constant 0 : i32
    %c0_i32_1 = arith.constant 0 : i32
    return %c0_i32, %c0_i32_0 : i32, i32
  }
  func.func @transform_8(%arg0: i32) -> (i32, i32) {
    %c0_i32 = arith.constant 0 : i32
    %c0_i32_0 = arith.constant 0 : i32
    %c0_i32_1 = arith.constant 0 : i32
    return %c0_i32, %c0_i32_0 : i32, i32
  }
  func.func @transform_9(%arg0: i32) -> (i32, i32) {
    %c0_i32 = arith.constant 0 : i32
    %c0_i32_0 = arith.constant 0 : i32
    %c0_i32_1 = arith.constant 0 : i32
    return %c0_i32, %c0_i32_0 : i32, i32
  }
  func.func @transform_10(%arg0: i32) -> (i32, i32) {
    %c0_i32 = arith.constant 0 : i32
    %c0_i32_0 = arith.constant 0 : i32
    %c0_i32_1 = arith.constant 0 : i32
    return %c0_i32, %c0_i32_0 : i32, i32
  }
  func.func @transform_11(%arg0: i32) -> (i32, i32) {
    %c0_i32 = arith.constant 0 : i32
    %c0_i32_0 = arith.constant 0 : i32
    %c0_i32_1 = arith.constant 0 : i32
    return %c0_i32, %c0_i32_0 : i32, i32
  }
  func.func @transform_12(%arg0: i32) -> (i32, i32, i32) {
    %c0_i32 = arith.constant 0 : i32
    %c0_i32_0 = arith.constant 0 : i32
    %c0_i32_1 = arith.constant 0 : i32
    return %c0_i32, %arg0, %c0_i32_0 : i32, i32, i32
  }
}

module attributes {stable_mosaic.version = 14 : i64} {
  func.func @_final_body(%arg0: memref<2x10240x128xf32, #tpu.memory_space<vmem>>, %arg1: memref<10000x128xf32, #tpu.memory_space<vmem>>, %arg2: memref<2x128x128xf32, #tpu.memory_space<vmem>>, %arg3: memref<1x128xf32, #tpu.memory_space<vmem>>, %arg4: memref<1x128xf32, #tpu.memory_space<vmem>>, %arg5: memref<1x128xf32, #tpu.memory_space<vmem>>, %arg6: memref<10000x128xf32, #tpu.memory_space<vmem>>) attributes {dimension_semantics = [], scalar_prefetch = 0 : i64, scratch_operands = 0 : i64, tpu.core_type = #tpu.core_type<tc>} {
    %get3A = arith.constant 0 : index
    %get3A_0 = arith.constant 0 : index
    %get3A_1 = arith.constant 0 : index
    %get3A_2 = vector.load %arg0[%get3A, %get3A_0, %get3A_1] : memref<2x10240x128xf32, #tpu.memory_space<vmem>>, vector<1x10000x128xf32>
    %get3A_3 = vector.shape_cast %get3A_2 : vector<1x10000x128xf32> to vector<10000x128xf32>
    %get3A_4 = arith.constant 1 : index
    %get3A_5 = arith.constant 0 : index
    %get3A_6 = arith.constant 0 : index
    %get3A_7 = vector.load %arg0[%get3A_4, %get3A_5, %get3A_6] : memref<2x10240x128xf32, #tpu.memory_space<vmem>>, vector<1x10000x128xf32>
    %get3A_8 = vector.shape_cast %get3A_7 : vector<1x10000x128xf32> to vector<10000x128xf32>
    %get3A_9 = arith.constant 0 : index
    %get3A_10 = arith.constant 0 : index
    %get3A_11 = arith.constant 0 : index
    %get3A_12 = vector.load %arg2[%get3A_9, %get3A_10, %get3A_11] : memref<2x128x128xf32, #tpu.memory_space<vmem>>, vector<1x128x128xf32>
    %get3A_13 = vector.shape_cast %get3A_12 : vector<1x128x128xf32> to vector<128x128xf32>
    %dot_general3A = arith.constant dense<0.000000e+00> : vector<10000x128xf32>
    %dot_general3A_14 = tpu.matmul %get3A_3, %get3A_13, %dot_general3A {dimension_numbers = #tpu.dot_dimension_numbers<[1], [0], [0], [1], [0, 0, 1, 1], [], []>, transpose_lhs_hint = false} : vector<10000x128xf32>, vector<128x128xf32>, vector<10000x128xf32> -> vector<10000x128xf32>
    %get3A_15 = arith.constant 1 : index
    %get3A_16 = arith.constant 0 : index
    %get3A_17 = arith.constant 0 : index
    %get3A_18 = vector.load %arg2[%get3A_15, %get3A_16, %get3A_17] : memref<2x128x128xf32, #tpu.memory_space<vmem>>, vector<1x128x128xf32>
    %get3A_19 = vector.shape_cast %get3A_18 : vector<1x128x128xf32> to vector<128x128xf32>
    %dot_general3A_20 = arith.constant dense<0.000000e+00> : vector<10000x128xf32>
    %dot_general3A_21 = tpu.matmul %get3A_8, %get3A_19, %dot_general3A_20 {dimension_numbers = #tpu.dot_dimension_numbers<[1], [0], [0], [1], [0, 0, 1, 1], [], []>, transpose_lhs_hint = false} : vector<10000x128xf32>, vector<128x128xf32>, vector<10000x128xf32> -> vector<10000x128xf32>
    %add3A = arith.addf %dot_general3A_14, %dot_general3A_21 : vector<10000x128xf32>
    %get3A_22 = arith.constant 0 : index
    %get3A_23 = arith.constant 0 : index
    %get3A_24 = vector.load %arg3[%get3A_22, %get3A_23] : memref<1x128xf32, #tpu.memory_space<vmem>>, vector<1x128xf32>
    %add3A_25 = vector.broadcast %get3A_24 : vector<1x128xf32> to vector<10000x128xf32>
    %add3A_26 = arith.addf %add3A, %add3A_25 : vector<10000x128xf32>
    %reduce_sum3A = arith.constant dense<0.000000e+00> : vector<128xf32>
    %reduce_sum3A_27 = vector.multi_reduction <add>, %add3A_26, %reduce_sum3A [0] : vector<10000x128xf32> to vector<128xf32>
    %broadcast_in_dim3A = vector.shape_cast %reduce_sum3A_27 : vector<128xf32> to vector<1x128xf32>
    %div3A = arith.constant 1.000000e+04 : f32
    %div3A_28 = vector.broadcast %div3A : f32 to vector<1x128xf32>
    %div3A_29 = arith.divf %broadcast_in_dim3A, %div3A_28 : vector<1x128xf32>
    %sub3A = vector.broadcast %div3A_29 : vector<1x128xf32> to vector<10000x128xf32>
    %sub3A_30 = arith.subf %add3A_26, %sub3A : vector<10000x128xf32>
    %integer_pow3A = arith.mulf %sub3A_30, %sub3A_30 : vector<10000x128xf32>
    %reduce_sum3A_31 = arith.constant dense<0.000000e+00> : vector<128xf32>
    %reduce_sum3A_32 = vector.multi_reduction <add>, %integer_pow3A, %reduce_sum3A_31 [0] : vector<10000x128xf32> to vector<128xf32>
    %broadcast_in_dim3A_33 = vector.shape_cast %reduce_sum3A_32 : vector<128xf32> to vector<1x128xf32>
    %div3A_34 = arith.constant 1.000000e+04 : f32
    %div3A_35 = vector.broadcast %div3A_34 : f32 to vector<1x128xf32>
    %div3A_36 = arith.divf %broadcast_in_dim3A_33, %div3A_35 : vector<1x128xf32>
    %sub3A_37 = vector.broadcast %div3A_29 : vector<1x128xf32> to vector<10000x128xf32>
    %sub3A_38 = arith.subf %add3A_26, %sub3A_37 : vector<10000x128xf32>
    %add3A_39 = arith.constant 9.99999974E-6 : f32
    %add3A_40 = vector.broadcast %add3A_39 : f32 to vector<1x128xf32>
    %add3A_41 = arith.addf %div3A_36, %add3A_40 : vector<1x128xf32>
    %rsqrt3A = math.rsqrt %add3A_41 : vector<1x128xf32>
    %mul3A = vector.broadcast %rsqrt3A : vector<1x128xf32> to vector<10000x128xf32>
    %mul3A_42 = arith.mulf %sub3A_38, %mul3A : vector<10000x128xf32>
    %get3A_43 = arith.constant 0 : index
    %get3A_44 = arith.constant 0 : index
    %get3A_45 = vector.load %arg4[%get3A_43, %get3A_44] : memref<1x128xf32, #tpu.memory_space<vmem>>, vector<1x128xf32>
    %mul3A_46 = vector.broadcast %get3A_45 : vector<1x128xf32> to vector<10000x128xf32>
    %mul3A_47 = arith.mulf %mul3A_42, %mul3A_46 : vector<10000x128xf32>
    %get3A_48 = arith.constant 0 : index
    %get3A_49 = arith.constant 0 : index
    %get3A_50 = vector.load %arg5[%get3A_48, %get3A_49] : memref<1x128xf32, #tpu.memory_space<vmem>>, vector<1x128xf32>
    %add3A_51 = vector.broadcast %get3A_50 : vector<1x128xf32> to vector<10000x128xf32>
    %add3A_52 = arith.addf %mul3A_47, %add3A_51 : vector<10000x128xf32>
    %ge3A = arith.constant 0.000000e+00 : f32
    %ge3A_53 = vector.broadcast %ge3A : f32 to vector<10000x128xf32>
    %ge3A_54 = arith.cmpf oge, %add3A_52, %ge3A_53 : vector<10000x128xf32>
    %mul3A_55 = arith.constant 0.00999999977 : f32
    %mul3A_56 = vector.broadcast %mul3A_55 : f32 to vector<10000x128xf32>
    %mul3A_57 = arith.mulf %mul3A_56, %add3A_52 : vector<10000x128xf32>
    %select_n3A = arith.select %ge3A_54, %add3A_52, %mul3A_57 : vector<10000x128xi1>, vector<10000x128xf32>
    %get3A_58 = arith.constant 0 : index
    %get3A_59 = arith.constant 0 : index
    %get3A_60 = vector.load %arg1[%get3A_58, %get3A_59] : memref<10000x128xf32, #tpu.memory_space<vmem>>, vector<10000x128xf32>
    %add3A_61 = arith.addf %select_n3A, %get3A_60 : vector<10000x128xf32>
    %swap3A = arith.constant 0 : index
    %swap3A_62 = arith.constant 0 : index
    %swap3A_63 = vector.load %arg6[%swap3A, %swap3A_62] : memref<10000x128xf32, #tpu.memory_space<vmem>>, vector<10000x128xf32>
    tpu.vector_store %arg6[%swap3A, %swap3A_62], %add3A_61 {strides = array<i32>} : memref<10000x128xf32, #tpu.memory_space<vmem>>, vector<10000x128xf32>,
    return
  }
}

</mosaic_0001>

<sc_bundles>
// kernel: kernel.10.cloned.1.call-start
scs
__scs_entry_jumppad:
0x0: {  	(pc) =	sbr.rel $0x88, $3  }
0x1: {  	(tag) =	ssettag $0x0;
	lr =	simm.s32 $0x1  }
0x2: {  	[smem:$0x3F8E] =	sst lr;
	_ =	strace $0xD0000000  }
0x3: {  	_ = 	snop  }
0x4: {  	_ = 	snop  }
0x5: {  	_ = 	snop  }
0x6: {  	_ = 	snop  }
0x7: {  	_ = 	snop  }
__scs_overlays_trampoline_lowered:
0x8: {  	[smem:$0x3F9D] =	sst s0  }
0x9: {  	[smem:$0x3F9E] =	sst s1  }
0xa: {  	[smem:$0x3F9F] =	sst s2  }
0xb: {  	[smem:$0x3FA0] =	sst s3  }
0xc: {  	[smem:$0x3FA1] =	sst s4  }
0xd: {  	[smem:$0x3FA2] =	sst s5  }
0xe: {  	[smem:$0x3FA3] =	sst s6  }
0xf: {  	[smem:$0x3FA4] =	sst s7  }
0x10: {  	[smem:$0x3FA5] =	sst s8  }
0x11: {  	[smem:$0x3FA6] =	sst s9;
	s0 =	simm.s32 @!p0 $0x0  }
0x12: {  	s1 =	sld [smem:$0x3F8C];
	s0 =	simm.s32 @p0 $0x1  }
0x13: {  	[smem:$0x3FA7] =	sst s0;
	s0 =	simm.s32 @!p1 $0x0  }
0x14: {  	s2 =	sld [smem:$0x3F8B];
	s0 =	simm.s32 @p1 $0x1  }
0x15: {  	[smem:$0x3FA8] =	sst s0;
	s0 =	simm.s32 @!p2 $0x0  }
0x16: {  	s3 =	sld [smem:$0x3FDB];
	s0 =	simm.s32 @p2 $0x1  }
0x17: {  	s4 =	simm.s32 $0x1BF5;
	[smem:$0x3FAA] =	sst s0  }
0x18: {  	s0 =	sld [smem:$0x3F8D];
	_ =	swait.ge [sflag:s4], $0x0  }
0x19: {  	s7 =	sld [smem:$0x3F8E]  }
0x1a: {  	s8 =	sadd.s32 $0xFFFFE003, lr  }
0x1b: {  	s9 =	sadd.s32 $0xFFFFFEF7, lr;
	s5 =	simm.s32 $0xFFFFFFFF;
	p2 =	slt.u32 s8, $0xFFFFF086  }
0x1c: {  	p1 =	slt.u32 s9, $0xF7A;
	s5 =	simm.s32 @!p2 $0x0  }
0x1d: {  	s5 =	simm.s32 @p1 $0x1;
	p0 =	seq.s32 s7, s2  }
0x1e: {  	s7 =	smul.u32 @!p0 $0xF7A, s2;
	p2 =	seq.s32 @!p0 s5, $0x0  }
0x1f: {  	s9 =	smul.u32 $0xF7A, s1;
	s8 =	simm.s32 @!p0 $0x1BF5;
	p2 =	por !p2, p0  }
0x20: {  	[sflag:s8] =	ssyncset.s32 @!p0 $0xFFFFF086;
	s6 =	sadd.s32 @!p0 s3, s7;
	s7 =	simm.s32 @!p0 $0x108  }
0x21: {  	s3 =	sadd.s32 s3, s9;
	s6 =	sadd.s32 @!p0 $0x88, s6;
	s7 =	simm.s32 @p2 $0x1082  }
0x22: {  	[simem:s7], [sflag:s8] =	dma.local @!p0 [hbm:s6], $0xF7A  }
0x23: {  	s9 =	sor.u32 $0xD0000000, s2;
	s6 =	simm.s32 $0x108;
	_ =	swait.ge @!p0 [sflag:s8], $0x0  }
0x24: {  	s3 =	sadd.s32 $0x88, s3;
	s6 =	simm.s32 @!p1 $0x1082;
	[sflag:s4] =	ssyncset.s32 $0xFFFFF086  }
0x25: {  	[simem:s6], [sflag:s4] =	dma.local [hbm:s3], $0xF7A  }
0x26: {  	[smem:$0x3F8E] =	sst s1;
	(tag) =	ssettag s2;
	_ =	strace s9  }
0x27: {  	s1 =	sld [smem:$0x3F9E]  }
0x28: {  	s2 =	sld [smem:$0x3F9F]  }
0x29: {  	s4 =	sld [smem:$0x3FA1]  }
0x2a: {  	p0 =	seq.s32 s5, $0x0;
	s5 =	sld [smem:$0x3FA2]  }
0x2b: {  	s6 =	sld [smem:$0x3FA3]  }
0x2c: {  	s7 =	sld [smem:$0x3FA4]  }
0x2d: {  	s3 =	simm.s32 $0x108;
	s8 =	sld [smem:$0x3FA5]  }
0x2e: {  	s3 =	simm.s32 @!p0 $0x1082;
	s9 =	sld [smem:$0x3FA6]  }
0x2f: {  	lr =	sadd.s32 s0, s3;
	s0 =	sld [smem:$0x3F9D]  }
0x30: {  	s3 =	sld [smem:$0x3FA0]  }
0x31: {  	[smem:$0x3FA9] =	sst s10  }
0x32: {  	s10 =	sld [smem:$0x3FA7];
	_ =	sdelay $0x3  }
0x33: {  	p0 =	seq.s32 s10, $0x1;
	s10 =	sld [smem:$0x3FA9];
	_ =	sdelay $0x3  }
0x34: {  	[smem:$0x3FA9] =	sst s10  }
0x35: {  	s10 =	sld [smem:$0x3FA8];
	_ =	sdelay $0x3  }
0x36: {  	p1 =	seq.s32 s10, $0x1;
	s10 =	sld [smem:$0x3FA9];
	_ =	sdelay $0x3  }
0x37: {  	[smem:$0x3FA9] =	sst s10  }
0x38: {  	s10 =	sld [smem:$0x3FAA]  }
0x39: {  	_ = 	snop;
	(pc) =	sbr.ind lr, $3  }
0x3a: {  	_ = 	snop  }
0x3b: {  	_ = 	snop  }
0x3c: {  	p2 =	seq.s32 s10, $0x1;
	s10 =	sld [smem:$0x3FA9]  }
0x3d: {  	_ =	shalt  }
0x3e: {  	_ =	shalt  }
0x3f: {  	_ =	shalt  }
0x40: {  	_ =	shalt  }
0x41: {  	_ =	shalt  }
0x42: {  	_ =	shalt  }
0x43: {  	_ =	shalt  }
0x44: {  	_ =	shalt  }
0x45: {  	_ =	shalt  }
0x46: {  	_ =	shalt  }
0x47: {  	_ =	shalt  }
0x48: {  	_ =	shalt  }
0x49: {  	_ =	shalt  }
0x4a: {  	_ =	shalt  }
0x4b: {  	_ =	shalt  }
0x4c: {  	_ =	shalt  }
0x4d: {  	_ =	shalt  }
0x4e: {  	_ =	shalt  }
0x4f: {  	_ =	shalt  }
0x50: {  	_ =	shalt  }
0x51: {  	_ =	shalt  }
0x52: {  	_ =	shalt  }
0x53: {  	_ =	shalt  }
0x54: {  	_ =	shalt  }
0x55: {  	_ =	shalt  }
0x56: {  	_ =	shalt  }
0x57: {  	_ =	shalt  }
0x58: {  	_ =	shalt  }
0x59: {  	_ =	shalt  }
0x5a: {  	_ =	shalt  }
0x5b: {  	_ =	shalt  }
0x5c: {  	_ =	shalt  }
0x5d: {  	_ =	shalt  }
0x5e: {  	_ =	shalt  }
0x5f: {  	_ =	shalt  }
0x60: {  	_ =	shalt  }
0x61: {  	_ =	shalt  }
0x62: {  	_ =	shalt  }
0x63: {  	_ =	shalt  }
0x64: {  	_ =	shalt  }
0x65: {  	_ =	shalt  }
0x66: {  	_ =	shalt  }
0x67: {  	_ =	shalt  }
0x68: {  	_ =	shalt  }
0x69: {  	_ =	shalt  }
0x6a: {  	_ =	shalt  }
0x6b: {  	_ =	shalt  }
0x6c: {  	_ =	shalt  }
0x6d: {  	_ =	shalt  }
0x6e: {  	_ =	shalt  }
0x6f: {  	_ =	shalt  }
0x70: {  	_ =	shalt  }
0x71: {  	_ =	shalt  }
0x72: {  	_ =	shalt  }
0x73: {  	_ =	shalt  }
0x74: {  	_ =	shalt  }
0x75: {  	_ =	shalt  }
0x76: {  	_ =	shalt  }
0x77: {  	_ =	shalt  }
0x78: {  	_ =	shalt  }
0x79: {  	_ =	shalt  }
0x7a: {  	_ =	shalt  }
0x7b: {  	_ =	shalt  }
0x7c: {  	_ =	shalt  }
0x7d: {  	_ =	shalt  }
0x7e: {  	_ =	shalt  }
0x7f: {  	_ =	shalt  }
0x80: {  	_ =	shalt  }
0x81: {  	_ =	shalt  }
0x82: {  	_ =	shalt  }
0x83: {  	_ =	shalt  }
0x84: {  	_ =	shalt  }
0x85: {  	_ =	shalt  }
0x86: {  	_ =	shalt  }
0x87: {  	_ =	shalt  }
.Lfunc_end0:
.L_simem_size_0:
called_computation.1_lowered:
.L_overlay_start_0:
0x88: {  	s2 =	sld [smem:$0x3FD9]  }
0x89: {  	s3 =	sld [smem:$0x3FFE];
	_ =	sdelay $0x1  }
0x8a: {  	s1 =	srdreg.scid  }
0x8b: {  	s0 =	sand.u32 $0x1, s1  }
0x8c: {  	s17 =	sshll.u32 s0, $0xA;
	s2 =	sadd.s32 s3, s2  }
0x8d: {  	s2 =	sadd.s32 s2, s17  }
0x8e: {  	[smem:$0x3FB5] =	sst s2  }
0x8f: {  	_ = 	snop  }
0x90: {  	s2 =	sld [smem:$0x3FD0];
	(tm) =	ssettm $0x1  }
0x91: {  	s18 =	sld [smem:$0x3FFB];
	_ =	sdelay $0x3  }
0x92: {  	_ =	strace s18  }
0x93: {  	s3 =	sld [smem:$0x3FFC];
	_ =	sdelay $0x3  }
0x94: {  	_ =	strace s3  }
0x95: {  	s3 =	sld [smem:$0x3FFD];
	_ =	sdelay $0x3  }
0x96: {  	_ =	strace s3  }
0x97: {  	_ =	strace $0x8FFFFFFF  }
0x98: {  	s19 =	sld [smem:$0x3FDB];
	_ =	sdelay $0x1  }
0x99: {  	s4 =	simm.s32 $_scs_section_size  }
0x9a: {  	s5 =	simm.s32 $_size__tile_overlayer_lowered;
	s6 =	simm.s32 $_tile_overlayer_lowered  }
0x9b: {  	s22 =	simm.s32 $0x1BFF;
	s21 =	sshll.u32 s6, $0x1;
	s3 =	sadd.s32 s4, s19  }
0x9c: {  	s7 =	simm.s32 $0x0;
	s20 =	sshll.u32 s5, $0x1;
	s5 =	sadd.s32 s21, s3  }
0x9d: {  	[timem:s7], [sflag:s22] =	dma.local [hbm:s5], s20  }
0x9e: {  	_ =	swait.ge [sflag:s22], s20  }
0x9f: {  	s4 =	ssub.s32 $0x0, s20;
	[sflag:s22] =	ssyncset.done $0x0  }
0xa0: {  	[sflag:s22] =	ssyncadd.s32 s4;
	_ =	sdelay $0x1  }
0xa1: {  	s23 =	simm.s32 $0x1B8B  }
0xa2: {  	_ =	swait.ge [sflag:s23], $0x1  }
0xa3: {  	[sflag:s23] =	ssyncset.done $0x0  }
0xa4: {  	s25 =	simm.s32 $0x1B8E;
	s24 =	sld [smem:$0x3FFE];
	[sflag:s23] =	ssyncadd.s32 $0xFFFFFFFF  }
0xa5: {  	s26 =	simm.s32 $execute0_lowered;
	[smem:$0x3FD2] =	sst s25  }
0xa6: {  	s5 =	sshll.u32 s26, $0x1;
	_ =	strace $0x80000049;
	[dreg:$0x1] =	wrdreg $0xFFFFFFFF  }
0xa7: {  	s28 =	simm.s32 $_size_execute0_lowered;
	s3 =	sadd.s32 s3, s5;
	[dreg:$0x0] =	wrdreg $0x0  }
0xa8: {  	s5 =	sshll.u32 s28, $0x1;
	[dreg:$0x2] =	wrdreg s3  }
0xa9: {  	[dreg:$0x3] =	wrdreg s5  }
0xaa: {  	[dreg:$0x4] =	wrdreg $0xC0  }
0xab: {  	_ =	task [dreg:s7], $0x5FFFF  }
0xac: {  	[dreg:$0x1] =	wrdreg $0xFFFFFFFF  }
0xad: {  	[dreg:$0x0] =	wrdreg $0x60  }
0xae: {  	[dreg:$0x2] =	wrdreg s24  }
0xaf: {  	[dreg:$0x3] =	wrdreg s2  }
0xb0: {  	[dreg:$0x4] =	wrdreg $0x68000  }
0xb1: {  	[dreg:$0x5] =	wrdreg $0x9  }
0xb2: {  	_ =	task.clear_ibuf [dreg:s7], $0x6FFFF;
	_ =	strace $0x90000049  }
0xb3: {  	s29 =	simm.s32 $0x9;
	_ =	strace $0x8000004B  }
0xb4: {  	_ =	swait.ge [sflag:s29], $0x1  }
0xb5: {  	[sflag:s29] =	ssyncadd.s32 $0xFFFFFFFF  }
0xb6: {  	_ =	strace $0x9000004B  }
0xb7: {  	_ =	sfence  }
0xb8: {  	s30 =	sld [smem:$0x0];
	_ =	sdelay $0x2  }
0xb9: {  	s31 =	sshll.u32 s1, $0xD;
	s1 =	sshrl.u32 s1, $0x2  }
0xba: {  	s3 =	sand.u32 $0x4000, s31;
	s1 =	sadd.s32 s1, s30  }
0xbb: {  	s0 =	sor.u32 s3, s0;
	s1 =	sshll.u32 s1, $0x11  }
0xbc: {  	s0 =	sor.u32 s1, s0  }
0xbd: {  	s0 =	sadd.s32 $0x8F2B, s0  }
0xbe: {  	[sflag:s0] =	ssyncadd.remote.s32 $0x1  }
0xbf: {  	_ =	sfence.sel $0xFFFF  }
0xc0: {  	[dreg:$0x0] =	wrdreg $0xFFFFFFFF;
	(pc) =	sbr.abs _section_cstart, $3  }
0xc1: {  	[dreg:$0x1] =	wrdreg $0xFFFFFFFF  }
0xc2: {  	_ =	task.clear_ibuf [dreg:s7], $0x2FFFF;
	_ =	strace $0x9FFFFFFF  }
0xc3: {  	(tm) =	ssettm $0x7FFFFFFF  }
tec
execute0_lowered:
.L_overlay_start_1:
0x0: {  	(tag) =	ssettag $0x1  }
0x1: {  	s0 =	srdreg.scid;
	s5 =	rddreg [dreg:$0x0]  }
0x2: {  	s2 =	rddreg [dreg:$0x1];
	s6 =	sand.u32 $0x1, s0  }
0x3: {  	s0 =	stileid.u32;
	s7 =	smul.u32 $0x1400000, s6  }
0x4: {  	s3 =	rddreg [dreg:$0x2];
	s8 =	smul.u32 $0x140000, s0  }
0x5: {  	s1 =	rddreg [dreg:$0x3];
	s4 =	simm.s32 $0x0;
	s24 =	smul.u32 $0x2800, s0  }
0x6: {  	[smem:$0x7FF] =	sst s4;
	s9 =	smul.u32 $0x50000, s0  }
0x7: {  	s20 =	sadd.s32 $0xCC00, s5;
	s26 =	ssub.s32 $0x2, s6;
	s18 =	smul.u32 $0x140000, s6  }
0x8: {  	_ =	strace $0x8000004A;
	s17 =	smul.u32 $0x14000, s0;
	s28 =	sshrl.u32 s26, $0x1  }
0x9: {  	s7 =	sadd.s32 s8, s7;
	s25 =	sshrl.u32 s24, $0x3;
	s8 =	ssub.s32 s26, s28  }
0xa: {  	s29 =	sshrl.u32 s9, $0x2;
	s12 =	sadd.s32 s18, s17;
	s13 =	sadd.s32 $0x4000, s17  }
0xb: {  	s15 =	sadd.s32 $0x8000, s17;
	s19 =	sadd.s32 $0xC000, s17;
	s23 =	sadd.s32 $0x10000, s17  }
0xc: {  	s24 =	simm.s32 $0x80;
	s7 =	sshrl.u32 s7, $0x3;
	s12 =	sshrl.u32 s12, $0x3  }
0xd: {  	s14 =	sadd.s32 s18, s13;
	s13 =	sadd.s32 s13, s3;
	s16 =	sadd.s32 s18, s15  }
0xe: {  	s15 =	sadd.s32 s15, s3;
	s22 =	sadd.s32 s18, s19;
	s17 =	sadd.s32 s19, s3  }
0xf: {  	s31 =	sadd.s32 s18, s23;
	s19 =	sadd.s32 s23, s3;
	s23 =	simm.s32 $0x1  }
0x10: {  	s21 =	sadd.s32 s7, s5;
	s7 =	sadd.s32 s25, s5;
	s5 =	sadd.s32 s29, s3  }
0x11: {  	s12 =	sadd.s32 s20, s12;
	s14 =	sshrl.u32 s14, $0x3;
	s16 =	sshrl.u32 s16, $0x3  }
0x12: {  	s30 =	sshrl.u32 s22, $0x3;
	s22 =	sshrl.u32 s31, $0x3;
	s25 =	simm.s32 $0x0  }
0x13: {  	s6 =	sadd.s32 $0x7C00, s7;
	s7 =	smax.u32 s8, $0x1;
	s8 =	sadd.s32 $0x4000, s5  }
0x14: {  	s9 =	sadd.s32 $0x8000, s5;
	s10 =	sadd.s32 $0xC000, s5;
	s11 =	sadd.s32 $0x10000, s5  }
0x15: {  	s14 =	sadd.s32 s20, s14;
	s16 =	sadd.s32 s20, s16;
	s18 =	sadd.s32 s20, s30  }
0x16: {  	s20 =	sadd.s32 s20, s22;
	s21 =	sadd.s32 $0x78CC00, s21;
	s22 =	simm.s32 $0x2800  }
.LBB2_1:
0x17: {  	[tilespmem:s22], [sflag:$0x1] =	stream.linear.gather [hbm4b:s2+s4], $0x4000, $0x38;
	[tilespmem:$0x1A800] =	vst v63  }
0x18: {  	_ =	swait.ge [sflag:s23], $0x4000  }
0x19: {  	[sflag:s23] =	ssyncset.done $0x0  }
0x1a: {  	[sflag:s23] =	ssyncadd.s32 $0xFFFFC000  }
0x1b: {  	[spmem:s5] =	stream.linear.scatter [tilespmem:s22], [sflag:$0x1], $0x4000, $0x38;
	[tilespmem:$0x1A800] =	vst v63  }
0x1c: {  	_ =	swait.ge [sflag:s23], $0x4000  }
0x1d: {  	[sflag:s23] =	ssyncset.done $0x0  }
0x1e: {  	[sflag:s23] =	ssyncadd.s32 $0xFFFFC000  }
0x1f: {  	[spmem:s8] =	stream.linear.scatter [tilespmem:s22], [sflag:$0x1], $0x4000, $0x38;
	[tilespmem:$0x1A800] =	vst v63  }
0x20: {  	_ =	swait.ge [sflag:s23], $0x4000  }
0x21: {  	[sflag:s23] =	ssyncset.done $0x0  }
0x22: {  	[sflag:s23] =	ssyncadd.s32 $0xFFFFC000  }
0x23: {  	[spmem:s9] =	stream.linear.scatter [tilespmem:s22], [sflag:$0x1], $0x4000, $0x38;
	[tilespmem:$0x1A800] =	vst v63  }
0x24: {  	_ =	swait.ge [sflag:s23], $0x4000  }
0x25: {  	[sflag:s23] =	ssyncset.done $0x0  }
0x26: {  	[sflag:s23] =	ssyncadd.s32 $0xFFFFC000  }
0x27: {  	[spmem:s10] =	stream.linear.scatter [tilespmem:s22], [sflag:$0x1], $0x4000, $0x38;
	[tilespmem:$0x1A800] =	vst v63  }
0x28: {  	_ =	swait.ge [sflag:s23], $0x4000  }
0x29: {  	[sflag:s23] =	ssyncset.done $0x0  }
0x2a: {  	[sflag:s23] =	ssyncadd.s32 $0xFFFFC000  }
0x2b: {  	[spmem:s11] =	stream.linear.scatter [tilespmem:s22], [sflag:$0x1], $0x4000, $0x38;
	[tilespmem:$0x1A800] =	vst v63  }
0x2c: {  	_ =	swait.ge [sflag:s23], $0x4000  }
0x2d: {  	[sflag:s23] =	ssyncset.done $0x0  }
0x2e: {  	[sflag:s23] =	ssyncadd.s32 $0xFFFFC000  }
0x2f: {  	[tilespmem:s4], [sflag:$0x1] =	stream.linear.gather [hbm4b:s6+s4], $0x2800, $0x38;
	[tilespmem:$0x1A800] =	vst v63  }
0x30: {  	_ =	swait.ge [sflag:s23], $0x2800  }
0x31: {  	[sflag:s23] =	ssyncset.done $0x0  }
0x32: {  	[sflag:s23] =	ssyncadd.s32 $0xFFFFD800  }
0x33: {  	[bflag:$0x0] =	sbarrier.arrive $0xFFFF  }
0x34: {  	[tilespmem:s22], [sflag:$0x1] =	stream.linear.gather [hbm4b:s21+s4], $0x4000, $0x38;
	[tilespmem:$0x1A800] =	vst v63  }
0x35: {  	_ =	swait.ge [sflag:s23], $0x4000  }
0x36: {  	[sflag:s23] =	ssyncset.done $0x0  }
0x37: {  	s26 =	simm.s32 $0x0;
	[sflag:s23] =	ssyncadd.s32 $0xFFFFC000  }
0x38: {  	[spmem:s3] =	stream.indirect.scatter.add.f32 [tilespmem:s22], [sflag:$0x1], $0x80, s26, s24, $0xb8;
	[tilespmem:$0x1A800] =	vst v63  }
0x39: {  	_ =	swait.ge [sflag:s23], $0x4000  }
0x3a: {  	s28 =	smov.u32 s21;
	s26 =	simm.s32 $0x200;
	[sflag:s23] =	ssyncset.done $0x0  }
.LBB2_2:
0x3b: {  	p0 =	sne.s32 s26, $0x9E00;
	[sflag:s23] =	ssyncadd.s32 $0xFFFFC000;
	s28 =	sadd.s32 $0x800, s28  }
0x3c: {  	[tilespmem:s22], [sflag:$0x1] =	stream.linear.gather [hbm4b:s28+s4], $0x4000, $0x38;
	[tilespmem:$0x1A800] =	vst v63  }
0x3d: {  	s29 =	smov.u32 s26;
	s26 =	sadd.s32 $0x200, s26;
	_ =	swait.ge [sflag:s23], $0x4000  }
.Ltmp0:
0x3e: {  	[sflag:s23] =	ssyncset.done $0x0;
	(pc) =	sbr.rel @p0 .LBB2_2-.Ltmp0, $4  }
0x3f: {  	s29 =	sshra.s32 s29, $0x2;
	[sflag:s23] =	ssyncadd.s32 $0xFFFFC000  }
0x40: {  	[spmem:s3] =	stream.indirect.scatter.add.f32 [tilespmem:s22], [sflag:$0x1], $0x80, s29, s24, $0xb8;
	[tilespmem:$0x1A800] =	vst v63  }
0x41: {  	_ =	swait.ge [sflag:s23], $0x4000  }
0x42: {  	[sflag:s23] =	ssyncset.done $0x0  }
0x43: {  	[sflag:s23] =	ssyncadd.s32 $0xFFFFC000  }
0x44: {  	[bflag:$0x0] =	sbarrier.arrive $0xFFFF  }
0x45: {  	[tilespmem:s22], [sflag:$0x1] =	stream.linear.gather [spmem:s5], $0x4000, $0x38;
	[tilespmem:$0x1A800] =	vst v63  }
0x46: {  	_ =	swait.ge [sflag:s23], $0x4000  }
0x47: {  	[sflag:s23] =	ssyncset.done $0x0  }
0x48: {  	[sflag:s23] =	ssyncadd.s32 $0xFFFFC000  }
0x49: {  	[hbm4b:s12+s4] =	stream.linear.scatter [tilespmem:s22], [sflag:$0x1], $0x4000, $0x38;
	[tilespmem:$0x1A800] =	vst v63  }
0x4a: {  	_ =	swait.ge [sflag:s23], $0x4000  }
0x4b: {  	[sflag:s23] =	ssyncset.done $0x0  }
0x4c: {  	[sflag:s23] =	ssyncadd.s32 $0xFFFFC000  }
0x4d: {  	[tilespmem:s22], [sflag:$0x1] =	stream.linear.gather [spmem:s13], $0x4000, $0x38;
	[tilespmem:$0x1A800] =	vst v63  }
0x4e: {  	_ =	swait.ge [sflag:s23], $0x4000  }
0x4f: {  	[sflag:s23] =	ssyncset.done $0x0  }
0x50: {  	[sflag:s23] =	ssyncadd.s32 $0xFFFFC000  }
0x51: {  	[hbm4b:s14+s4] =	stream.linear.scatter [tilespmem:s22], [sflag:$0x1], $0x4000, $0x38;
	[tilespmem:$0x1A800] =	vst v63  }
0x52: {  	_ =	swait.ge [sflag:s23], $0x4000  }
0x53: {  	[sflag:s23] =	ssyncset.done $0x0  }
0x54: {  	[sflag:s23] =	ssyncadd.s32 $0xFFFFC000  }
0x55: {  	[tilespmem:s22], [sflag:$0x1] =	stream.linear.gather [spmem:s15], $0x4000, $0x38;
	[tilespmem:$0x1A800] =	vst v63  }
0x56: {  	_ =	swait.ge [sflag:s23], $0x4000  }
0x57: {  	[sflag:s23] =	ssyncset.done $0x0  }
0x58: {  	[sflag:s23] =	ssyncadd.s32 $0xFFFFC000  }
0x59: {  	[hbm4b:s16+s4] =	stream.linear.scatter [tilespmem:s22], [sflag:$0x1], $0x4000, $0x38;
	[tilespmem:$0x1A800] =	vst v63  }
0x5a: {  	_ =	swait.ge [sflag:s23], $0x4000  }
0x5b: {  	[sflag:s23] =	ssyncset.done $0x0  }
0x5c: {  	[sflag:s23] =	ssyncadd.s32 $0xFFFFC000  }
0x5d: {  	[tilespmem:s22], [sflag:$0x1] =	stream.linear.gather [spmem:s17], $0x4000, $0x38;
	[tilespmem:$0x1A800] =	vst v63  }
0x5e: {  	_ =	swait.ge [sflag:s23], $0x4000  }
0x5f: {  	[sflag:s23] =	ssyncset.done $0x0  }
0x60: {  	[sflag:s23] =	ssyncadd.s32 $0xFFFFC000  }
0x61: {  	[hbm4b:s18+s4] =	stream.linear.scatter [tilespmem:s22], [sflag:$0x1], $0x4000, $0x38;
	[tilespmem:$0x1A800] =	vst v63  }
0x62: {  	_ =	swait.ge [sflag:s23], $0x4000  }
0x63: {  	[sflag:s23] =	ssyncset.done $0x0  }
0x64: {  	[sflag:s23] =	ssyncadd.s32 $0xFFFFC000  }
0x65: {  	[tilespmem:s22], [sflag:$0x1] =	stream.linear.gather [spmem:s19], $0x4000, $0x38;
	[tilespmem:$0x1A800] =	vst v63  }
0x66: {  	s25 =	sadd.s32 $0x1, s25;
	_ =	swait.ge [sflag:s23], $0x4000  }
0x67: {  	p0 =	sne.s32 s25, s7;
	[sflag:s23] =	ssyncset.done $0x0  }
.Ltmp1:
0x68: {  	[sflag:s23] =	ssyncadd.s32 $0xFFFFC000;
	(pc) =	sbr.rel @p0 .LBB2_1-.Ltmp1, $4  }
0x69: {  	[hbm4b:s20+s4] =	stream.linear.scatter [tilespmem:s22], [sflag:$0x1], $0x4000, $0x38;
	[tilespmem:$0x1A800] =	vst v63  }
0x6a: {  	_ =	swait.ge [sflag:s23], $0x4000  }
0x6b: {  	[sflag:s23] =	ssyncset.done $0x0  }
0x6c: {  	[sflag:s23] =	ssyncadd.s32 $0xFFFFC000  }
0x6d: {  	_ =	sfence.sel $0x180000  }
0x6e: {  	[bflag:$0x0] =	sbarrier.arrive $0xFFFF  }
0x6f: {  	p0 =	sne.s32 s0, $0x0;
	_ =	strace $0x9000004A  }
0x70: {  	s0 =	sadd.s32 @!p0 $0x100000, s1;
	[bflag:$0x2] =	sbarrier.arrive $0xFFFF  }
0x71: {  	[sflag:s0] =	ssyncadd.tile.s32 @!p0 $0x1;
	_ =	shalt  }
.Lfunc_end2:
_tile_overlayer_lowered:
.L_overlay_start_2:
0x72: {  	(tag) =	ssettag $0x2  }
0x73: {  	s0 =	rddreg [dreg:$0x0];
	s2 =	stileid.u32  }
0x74: {  	s1 =	rddreg [dreg:$0x1];
	p0 =	sne.s32 s2, $0x0  }
0x75: {  	s3 =	rddreg [dreg:$0x2];
	[bflag:$0x3] =	sbarrier.arrive $0xFFFF;
	s2 =	simm.s32 @!p0 $0x1C01  }
0x76: {  	[timem:s3], [sflag:s2] =	dma.local @!p0 [hbm:s0], s1  }
0x77: {  	s0 =	simm.s32 @!p0 $0x1  }
0x78: {  	_ =	swait.ge @!p0 [sflag:s0], s1  }
0x79: {  	s1 =	ssub.s32 @!p0 $0x0, s1;
	[sflag:s0] =	ssyncset.done @!p0 $0x0  }
0x7a: {  	[sflag:s0] =	ssyncadd.s32 @!p0 s1  }
0x7b: {  	[bflag:$0x3] =	sbarrier.arrive $0xFFFF  }
0x7c: {  	_ =	shalt  }

// kernel: kernel.7.cloned.1.call-start
scs
__scs_entry_jumppad:
0x0: {  	(pc) =	sbr.rel $0x88, $3  }
0x1: {  	(tag) =	ssettag $0x0;
	lr =	simm.s32 $0x1  }
0x2: {  	[smem:$0x3F8E] =	sst lr;
	_ =	strace $0xD0000000  }
0x3: {  	_ = 	snop  }
0x4: {  	_ = 	snop  }
0x5: {  	_ = 	snop  }
0x6: {  	_ = 	snop  }
0x7: {  	_ = 	snop  }
__scs_overlays_trampoline_lowered:
0x8: {  	[smem:$0x3F9D] =	sst s0  }
0x9: {  	[smem:$0x3F9E] =	sst s1  }
0xa: {  	[smem:$0x3F9F] =	sst s2  }
0xb: {  	[smem:$0x3FA0] =	sst s3  }
0xc: {  	[smem:$0x3FA1] =	sst s4  }
0xd: {  	[smem:$0x3FA2] =	sst s5  }
0xe: {  	[smem:$0x3FA3] =	sst s6  }
0xf: {  	[smem:$0x3FA4] =	sst s7  }
0x10: {  	[smem:$0x3FA5] =	sst s8  }
0x11: {  	[smem:$0x3FA6] =	sst s9;
	s0 =	simm.s32 @!p0 $0x0  }
0x12: {  	s1 =	sld [smem:$0x3F8C];
	s0 =	simm.s32 @p0 $0x1  }
0x13: {  	[smem:$0x3FA7] =	sst s0;
	s0 =	simm.s32 @!p1 $0x0  }
0x14: {  	s2 =	sld [smem:$0x3F8B];
	s0 =	simm.s32 @p1 $0x1  }
0x15: {  	[smem:$0x3FA8] =	sst s0;
	s0 =	simm.s32 @!p2 $0x0  }
0x16: {  	s3 =	sld [smem:$0x3FDB];
	s0 =	simm.s32 @p2 $0x1  }
0x17: {  	s4 =	simm.s32 $0x1BF5;
	[smem:$0x3FAA] =	sst s0  }
0x18: {  	s0 =	sld [smem:$0x3F8D];
	_ =	swait.ge [sflag:s4], $0x0  }
0x19: {  	s7 =	sld [smem:$0x3F8E]  }
0x1a: {  	s8 =	sadd.s32 $0xFFFFE003, lr  }
0x1b: {  	s9 =	sadd.s32 $0xFFFFFEF7, lr;
	s5 =	simm.s32 $0xFFFFFFFF;
	p2 =	slt.u32 s8, $0xFFFFF086  }
0x1c: {  	p1 =	slt.u32 s9, $0xF7A;
	s5 =	simm.s32 @!p2 $0x0  }
0x1d: {  	s5 =	simm.s32 @p1 $0x1;
	p0 =	seq.s32 s7, s2  }
0x1e: {  	s7 =	smul.u32 @!p0 $0xF7A, s2;
	p2 =	seq.s32 @!p0 s5, $0x0  }
0x1f: {  	s9 =	smul.u32 $0xF7A, s1;
	s8 =	simm.s32 @!p0 $0x1BF5;
	p2 =	por !p2, p0  }
0x20: {  	[sflag:s8] =	ssyncset.s32 @!p0 $0xFFFFF086;
	s6 =	sadd.s32 @!p0 s3, s7;
	s7 =	simm.s32 @!p0 $0x108  }
0x21: {  	s3 =	sadd.s32 s3, s9;
	s6 =	sadd.s32 @!p0 $0x88, s6;
	s7 =	simm.s32 @p2 $0x1082  }
0x22: {  	[simem:s7], [sflag:s8] =	dma.local @!p0 [hbm:s6], $0xF7A  }
0x23: {  	s9 =	sor.u32 $0xD0000000, s2;
	s6 =	simm.s32 $0x108;
	_ =	swait.ge @!p0 [sflag:s8], $0x0  }
0x24: {  	s3 =	sadd.s32 $0x88, s3;
	s6 =	simm.s32 @!p1 $0x1082;
	[sflag:s4] =	ssyncset.s32 $0xFFFFF086  }
0x25: {  	[simem:s6], [sflag:s4] =	dma.local [hbm:s3], $0xF7A  }
0x26: {  	[smem:$0x3F8E] =	sst s1;
	(tag) =	ssettag s2;
	_ =	strace s9  }
0x27: {  	s1 =	sld [smem:$0x3F9E]  }
0x28: {  	s2 =	sld [smem:$0x3F9F]  }
0x29: {  	s4 =	sld [smem:$0x3FA1]  }
0x2a: {  	p0 =	seq.s32 s5, $0x0;
	s5 =	sld [smem:$0x3FA2]  }
0x2b: {  	s6 =	sld [smem:$0x3FA3]  }
0x2c: {  	s7 =	sld [smem:$0x3FA4]  }
0x2d: {  	s3 =	simm.s32 $0x108;
	s8 =	sld [smem:$0x3FA5]  }
0x2e: {  	s3 =	simm.s32 @!p0 $0x1082;
	s9 =	sld [smem:$0x3FA6]  }
0x2f: {  	lr =	sadd.s32 s0, s3;
	s0 =	sld [smem:$0x3F9D]  }
0x30: {  	s3 =	sld [smem:$0x3FA0]  }
0x31: {  	[smem:$0x3FA9] =	sst s10  }
0x32: {  	s10 =	sld [smem:$0x3FA7];
	_ =	sdelay $0x3  }
0x33: {  	p0 =	seq.s32 s10, $0x1;
	s10 =	sld [smem:$0x3FA9];
	_ =	sdelay $0x3  }
0x34: {  	[smem:$0x3FA9] =	sst s10  }
0x35: {  	s10 =	sld [smem:$0x3FA8];
	_ =	sdelay $0x3  }
0x36: {  	p1 =	seq.s32 s10, $0x1;
	s10 =	sld [smem:$0x3FA9];
	_ =	sdelay $0x3  }
0x37: {  	[smem:$0x3FA9] =	sst s10  }
0x38: {  	s10 =	sld [smem:$0x3FAA]  }
0x39: {  	_ = 	snop;
	(pc) =	sbr.ind lr, $3  }
0x3a: {  	_ = 	snop  }
0x3b: {  	_ = 	snop  }
0x3c: {  	p2 =	seq.s32 s10, $0x1;
	s10 =	sld [smem:$0x3FA9]  }
0x3d: {  	_ =	shalt  }
0x3e: {  	_ =	shalt  }
0x3f: {  	_ =	shalt  }
0x40: {  	_ =	shalt  }
0x41: {  	_ =	shalt  }
0x42: {  	_ =	shalt  }
0x43: {  	_ =	shalt  }
0x44: {  	_ =	shalt  }
0x45: {  	_ =	shalt  }
0x46: {  	_ =	shalt  }
0x47: {  	_ =	shalt  }
0x48: {  	_ =	shalt  }
0x49: {  	_ =	shalt  }
0x4a: {  	_ =	shalt  }
0x4b: {  	_ =	shalt  }
0x4c: {  	_ =	shalt  }
0x4d: {  	_ =	shalt  }
0x4e: {  	_ =	shalt  }
0x4f: {  	_ =	shalt  }
0x50: {  	_ =	shalt  }
0x51: {  	_ =	shalt  }
0x52: {  	_ =	shalt  }
0x53: {  	_ =	shalt  }
0x54: {  	_ =	shalt  }
0x55: {  	_ =	shalt  }
0x56: {  	_ =	shalt  }
0x57: {  	_ =	shalt  }
0x58: {  	_ =	shalt  }
0x59: {  	_ =	shalt  }
0x5a: {  	_ =	shalt  }
0x5b: {  	_ =	shalt  }
0x5c: {  	_ =	shalt  }
0x5d: {  	_ =	shalt  }
0x5e: {  	_ =	shalt  }
0x5f: {  	_ =	shalt  }
0x60: {  	_ =	shalt  }
0x61: {  	_ =	shalt  }
0x62: {  	_ =	shalt  }
0x63: {  	_ =	shalt  }
0x64: {  	_ =	shalt  }
0x65: {  	_ =	shalt  }
0x66: {  	_ =	shalt  }
0x67: {  	_ =	shalt  }
0x68: {  	_ =	shalt  }
0x69: {  	_ =	shalt  }
0x6a: {  	_ =	shalt  }
0x6b: {  	_ =	shalt  }
0x6c: {  	_ =	shalt  }
0x6d: {  	_ =	shalt  }
0x6e: {  	_ =	shalt  }
0x6f: {  	_ =	shalt  }
0x70: {  	_ =	shalt  }
0x71: {  	_ =	shalt  }
0x72: {  	_ =	shalt  }
0x73: {  	_ =	shalt  }
0x74: {  	_ =	shalt  }
0x75: {  	_ =	shalt  }
0x76: {  	_ =	shalt  }
0x77: {  	_ =	shalt  }
0x78: {  	_ =	shalt  }
0x79: {  	_ =	shalt  }
0x7a: {  	_ =	shalt  }
0x7b: {  	_ =	shalt  }
0x7c: {  	_ =	shalt  }
0x7d: {  	_ =	shalt  }
0x7e: {  	_ =	shalt  }
0x7f: {  	_ =	shalt  }
0x80: {  	_ =	shalt  }
0x81: {  	_ =	shalt  }
0x82: {  	_ =	shalt  }
0x83: {  	_ =	shalt  }
0x84: {  	_ =	shalt  }
0x85: {  	_ =	shalt  }
0x86: {  	_ =	shalt  }
0x87: {  	_ =	shalt  }
.Lfunc_end0:
.L_simem_size_0:
called_computation_lowered:
.L_overlay_start_0:
0x88: {  	s2 =	sld [smem:$0x3FD9]  }
0x89: {  	s3 =	sld [smem:$0x3FFE];
	_ =	sdelay $0x1  }
0x8a: {  	s1 =	srdreg.scid  }
0x8b: {  	s0 =	sand.u32 $0x1, s1  }
0x8c: {  	s17 =	sshll.u32 s0, $0xA;
	s2 =	sadd.s32 s3, s2  }
0x8d: {  	s2 =	sadd.s32 s2, s17  }
0x8e: {  	[smem:$0x3FB5] =	sst s2  }
0x8f: {  	_ = 	snop  }
0x90: {  	s2 =	sld [smem:$0x3FC9]  }
0x91: {  	s18 =	sld [smem:$0x3FD0];
	(tm) =	ssettm $0x1  }
0x92: {  	s4 =	sld [smem:$0x3FFB];
	_ =	sdelay $0x3  }
0x93: {  	_ =	strace s4  }
0x94: {  	s4 =	sld [smem:$0x3FFC];
	_ =	sdelay $0x3  }
0x95: {  	_ =	strace s4  }
0x96: {  	s4 =	sld [smem:$0x3FFD];
	_ =	sdelay $0x3  }
0x97: {  	_ =	strace s4  }
0x98: {  	_ =	strace $0x8FFFFFFF  }
0x99: {  	s19 =	sld [smem:$0x3FDB];
	_ =	sdelay $0x1  }
0x9a: {  	s5 =	simm.s32 $_scs_section_size  }
0x9b: {  	s6 =	simm.s32 $_size__tile_overlayer_lowered;
	s7 =	simm.s32 $_tile_overlayer_lowered  }
0x9c: {  	s22 =	simm.s32 $0x1BFF;
	s21 =	sshll.u32 s7, $0x1;
	s4 =	sadd.s32 s5, s19  }
0x9d: {  	s8 =	simm.s32 $0x0;
	s20 =	sshll.u32 s6, $0x1;
	s6 =	sadd.s32 s21, s4  }
0x9e: {  	[timem:s8], [sflag:s22] =	dma.local [hbm:s6], s20  }
0x9f: {  	_ =	swait.ge [sflag:s22], s20  }
0xa0: {  	s5 =	ssub.s32 $0x0, s20;
	[sflag:s22] =	ssyncset.done $0x0  }
0xa1: {  	[sflag:s22] =	ssyncadd.s32 s5;
	_ =	sdelay $0x1  }
0xa2: {  	s23 =	simm.s32 $0x1B8B  }
0xa3: {  	_ =	swait.ge [sflag:s23], $0x1  }
0xa4: {  	[sflag:s23] =	ssyncset.done $0x0  }
0xa5: {  	s25 =	simm.s32 $0x1B8E;
	s24 =	sld [smem:$0x3FFE];
	[sflag:s23] =	ssyncadd.s32 $0xFFFFFFFF  }
0xa6: {  	s26 =	simm.s32 $execute0_lowered;
	[smem:$0x3FD2] =	sst s25  }
0xa7: {  	s6 =	sshll.u32 s26, $0x1;
	_ =	strace $0x80000046;
	[dreg:$0x1] =	wrdreg $0xFFFFFFFF  }
0xa8: {  	s28 =	simm.s32 $_size_execute0_lowered;
	s4 =	sadd.s32 s4, s6;
	[dreg:$0x0] =	wrdreg $0x0  }
0xa9: {  	s6 =	sshll.u32 s28, $0x1;
	[dreg:$0x2] =	wrdreg s4  }
0xaa: {  	[dreg:$0x3] =	wrdreg s6  }
0xab: {  	[dreg:$0x4] =	wrdreg $0xC0  }
0xac: {  	_ =	task [dreg:s8], $0x5FFFF  }
0xad: {  	[dreg:$0x1] =	wrdreg $0xFFFFFFFF  }
0xae: {  	[dreg:$0x0] =	wrdreg $0x60  }
0xaf: {  	[dreg:$0x2] =	wrdreg s2  }
0xb0: {  	[dreg:$0x3] =	wrdreg s18  }
0xb1: {  	[dreg:$0x4] =	wrdreg s24  }
0xb2: {  	[dreg:$0x5] =	wrdreg $0x9  }
0xb3: {  	_ =	task.clear_ibuf [dreg:s8], $0x6FFFF;
	_ =	strace $0x90000046  }
0xb4: {  	s29 =	simm.s32 $0x9;
	_ =	strace $0x80000048  }
0xb5: {  	_ =	swait.ge [sflag:s29], $0x1  }
0xb6: {  	[sflag:s29] =	ssyncadd.s32 $0xFFFFFFFF  }
0xb7: {  	_ =	strace $0x90000048  }
0xb8: {  	_ =	sfence  }
0xb9: {  	s30 =	sld [smem:$0x0];
	_ =	sdelay $0x2  }
0xba: {  	s31 =	sshll.u32 s1, $0xD;
	s1 =	sshrl.u32 s1, $0x2  }
0xbb: {  	s3 =	sand.u32 $0x4000, s31;
	s1 =	sadd.s32 s1, s30  }
0xbc: {  	s0 =	sor.u32 s3, s0;
	s1 =	sshll.u32 s1, $0x11  }
0xbd: {  	s0 =	sor.u32 s1, s0  }
0xbe: {  	s0 =	sadd.s32 $0x8F2B, s0  }
0xbf: {  	[sflag:s0] =	ssyncadd.remote.s32 $0x1  }
0xc0: {  	_ =	sfence.sel $0xFFFF  }
0xc1: {  	[dreg:$0x0] =	wrdreg $0xFFFFFFFF;
	(pc) =	sbr.abs _section_cstart, $3  }
0xc2: {  	[dreg:$0x1] =	wrdreg $0xFFFFFFFF  }
0xc3: {  	_ =	task.clear_ibuf [dreg:s8], $0x2FFFF;
	_ =	strace $0x9FFFFFFF  }
0xc4: {  	(tm) =	ssettm $0x7FFFFFFF  }
0xc5: {  	_ =	shalt  }
tec
execute0_lowered:
.L_overlay_start_1:
0x0: {  	(tag) =	ssettag $0x1  }
0x1: {  	s1 =	rddreg [dreg:$0x0]  }
0x2: {  	s4 =	rddreg [dreg:$0x1];
	s2 =	srdreg.scid  }
0x3: {  	s0 =	stileid.u32;
	s5 =	rddreg [dreg:$0x2]  }
0x4: {  	s3 =	simm.s32 $0x0;
	s11 =	simm.s32 $0x80;
	s12 =	simm.s32 $0x2800  }
0x5: {  	s13 =	simm.s32 $0x6800;
	s6 =	sand.u32 $0x1, s2;
	s7 =	sshll.u32 s0, $0x1  }
0x6: {  	s14 =	simm.s32 $0x1;
	s15 =	simm.s32 $0x2;
	s7 =	sor.u32 s6, s7  }
0x7: {  	s16 =	simm.s32 $0x0;
	[smem:$0x7FF] =	sst s3;
	s7 =	smul.u32 $0x1400, s7  }
0x8: {  	s2 =	rddreg [dreg:$0x3];
	s8 =	smul.u32 $0x28000, s0;
	_ =	strace $0x80000047  }
0x9: {  	s9 =	ssub.s32 $0x2, s6;
	s6 =	smul.u32 $0x14000, s6;
	s7 =	sshrl.u32 s7, $0x3  }
0xa: {  	s30 =	sshrl.u32 s9, $0x1;
	s10 =	sadd.s32 s7, s5;
	s5 =	sadd.s32 s8, s5  }
0xb: {  	s8 =	ssub.s32 s9, s30;
	s4 =	sadd.s32 s4, s7;
	s9 =	simm.s32 $0x3  }
0xc: {  	s31 =	sadd.s32 s6, s5;
	s5 =	sadd.s32 $0x2C00, s10;
	s6 =	smax.u32 s8, $0x1  }
0xd: {  	s10 =	simm.s32 $0x1400;
	s7 =	sadd.s32 $0xCC00, s31;
	s8 =	sadd.s32 $0x28CC00, s31  }
.LBB2_1:
0xe: {  	[tilespmem:s3], [sflag:$0x3] =	stream.linear.gather [hbm4b:s4+s3], $0x1400, $0x38;
	[tilespmem:$0xA800] =	vst v63  }
0xf: {  	_ =	swait.ge [sflag:s9], $0x1400  }
0x10: {  	[sflag:s9] =	ssyncset.done $0x0  }
0x11: {  	[sflag:s9] =	ssyncadd.s32 $0xFFFFEC00  }
0x12: {  	[tilespmem:s10], [sflag:$0x3] =	stream.linear.gather [hbm4b:s5+s3], $0x1400, $0x38;
	[tilespmem:$0xA800] =	vst v63  }
0x13: {  	_ =	swait.ge [sflag:s9], $0x1400  }
0x14: {  	[sflag:s9] =	ssyncset.done $0x0  }
0x15: {  	s17 =	simm.s32 $0x0;
	[sflag:s9] =	ssyncadd.s32 $0xFFFFEC00  }
0x16: {  	[tilespmem:s12], [sflag:$0x1] =	stream.indirect.gather [hbm4b:s1+s11], $0x80, s17, s11, $0xb8;
	[tilespmem:$0xA800] =	vst v63  }
0x17: {  	s31 =	simm.s32 $0x1400  }
0x18: {  	[tilespmem:s13], [sflag:$0x2] =	stream.indirect.gather [hbm4b:s1+s11], $0x80, s31, s11, $0xb8;
	[tilespmem:$0xA800] =	vst v63  }
0x19: {  	_ =	swait.ge [sflag:s14], $0x4000  }
0x1a: {  	[sflag:s14] =	ssyncset.done $0x0  }
0x1b: {  	[sflag:s14] =	ssyncadd.s32 $0xFFFFC000  }
0x1c: {  	[hbm4b:s7+s3] =	stream.linear.scatter [tilespmem:s12], [sflag:$0x3], $0x4000, $0x38;
	[tilespmem:$0xA800] =	vst v63  }
0x1d: {  	_ =	swait.ge [sflag:s9], $0x4000  }
0x1e: {  	[sflag:s9] =	ssyncset.done $0x0  }
0x1f: {  	[sflag:s9] =	ssyncadd.s32 $0xFFFFC000  }
0x20: {  	_ =	swait.ge [sflag:s15], $0x4000  }
0x21: {  	[sflag:s15] =	ssyncset.done $0x0  }
0x22: {  	[sflag:s15] =	ssyncadd.s32 $0xFFFFC000  }
0x23: {  	[hbm4b:s8+s3] =	stream.linear.scatter [tilespmem:s13], [sflag:$0x3], $0x4000, $0x38;
	[tilespmem:$0xA800] =	vst v63  }
0x24: {  	s19 =	simm.s32 $0x200;
	s20 =	simm.s32 $0x400;
	_ =	swait.ge [sflag:s9], $0x4000  }
0x25: {  	s18 =	sadd.s32 $0x800, s7;
	s17 =	sadd.s32 $0x800, s8;
	[sflag:s9] =	ssyncset.done $0x0  }
.LBB2_2:
0x26: {  	s21 =	sshra.s32 s19, $0x2  }
0x27: {  	[sflag:s9] =	ssyncadd.s32 $0xFFFFC000;
	s19 =	smov.u32 s20;
	s22 =	sadd.s32 $0x200, s20  }
0x28: {  	[tilespmem:s12], [sflag:$0x1] =	stream.indirect.gather [hbm4b:s1+s11], $0x80, s21, s11, $0xb8;
	[tilespmem:$0xA800] =	vst v63  }
0x29: {  	p0 =	sne.s32 s20, $0x4E00;
	s20 =	sadd.s32 $0x1400, s21  }
0x2a: {  	[tilespmem:s13], [sflag:$0x2] =	stream.indirect.gather [hbm4b:s1+s11], $0x80, s20, s11, $0xb8;
	[tilespmem:$0xA800] =	vst v63  }
0x2b: {  	_ =	swait.ge [sflag:s14], $0x4000  }
0x2c: {  	[sflag:s14] =	ssyncset.done $0x0  }
0x2d: {  	[sflag:s14] =	ssyncadd.s32 $0xFFFFC000  }
0x2e: {  	[hbm4b:s18+s3] =	stream.linear.scatter [tilespmem:s12], [sflag:$0x3], $0x4000, $0x38;
	[tilespmem:$0xA800] =	vst v63  }
0x2f: {  	_ =	swait.ge [sflag:s9], $0x4000  }
0x30: {  	[sflag:s9] =	ssyncset.done $0x0  }
0x31: {  	[sflag:s9] =	ssyncadd.s32 $0xFFFFC000  }
0x32: {  	_ =	swait.ge [sflag:s15], $0x4000  }
.Ltmp0:
0x33: {  	[sflag:s15] =	ssyncset.done $0x0;
	(pc) =	sbr.rel @p0 .LBB2_2-.Ltmp0, $4  }
0x34: {  	[sflag:s15] =	ssyncadd.s32 $0xFFFFC000  }
0x35: {  	[hbm4b:s17+s3] =	stream.linear.scatter [tilespmem:s13], [sflag:$0x3], $0x4000, $0x38;
	[tilespmem:$0xA800] =	vst v63  }
0x36: {  	s20 =	smov.u32 s22;
	_ =	swait.ge [sflag:s9], $0x4000  }
0x37: {  	s18 =	sadd.s32 $0x800, s18;
	s17 =	sadd.s32 $0x800, s17;
	[sflag:s9] =	ssyncset.done $0x0  }
0x38: {  	s19 =	sshra.s32 s19, $0x2;
	[sflag:s9] =	ssyncadd.s32 $0xFFFFC000  }
0x39: {  	[tilespmem:s12], [sflag:$0x1] =	stream.indirect.gather [hbm4b:s1+s11], $0x80, s19, s11, $0xb8;
	[tilespmem:$0xA800] =	vst v63  }
0x3a: {  	s19 =	sadd.s32 $0x1400, s19  }
0x3b: {  	[tilespmem:s13], [sflag:$0x2] =	stream.indirect.gather [hbm4b:s1+s11], $0x80, s19, s11, $0xb8;
	[tilespmem:$0xA800] =	vst v63  }
0x3c: {  	_ =	swait.ge [sflag:s14], $0x4000  }
0x3d: {  	[sflag:s14] =	ssyncset.done $0x0  }
0x3e: {  	[sflag:s14] =	ssyncadd.s32 $0xFFFFC000  }
0x3f: {  	[hbm4b:s18+s3] =	stream.linear.scatter [tilespmem:s12], [sflag:$0x3], $0x4000, $0x38;
	[tilespmem:$0xA800] =	vst v63  }
0x40: {  	_ =	swait.ge [sflag:s9], $0x4000  }
0x41: {  	[sflag:s9] =	ssyncset.done $0x0  }
0x42: {  	[sflag:s9] =	ssyncadd.s32 $0xFFFFC000  }
0x43: {  	s16 =	sadd.s32 $0x1, s16;
	_ =	swait.ge [sflag:s15], $0x4000  }
0x44: {  	p0 =	sne.s32 s16, s6;
	[sflag:s15] =	ssyncset.done $0x0  }
.Ltmp1:
0x45: {  	[sflag:s15] =	ssyncadd.s32 $0xFFFFC000;
	(pc) =	sbr.rel @p0 .LBB2_1-.Ltmp1, $4  }
0x46: {  	[hbm4b:s17+s3] =	stream.linear.scatter [tilespmem:s13], [sflag:$0x3], $0x4000, $0x38;
	[tilespmem:$0xA800] =	vst v63  }
0x47: {  	_ =	swait.ge [sflag:s9], $0x4000  }
0x48: {  	[sflag:s9] =	ssyncset.done $0x0  }
0x49: {  	[sflag:s9] =	ssyncadd.s32 $0xFFFFC000  }
0x4a: {  	_ =	sfence.sel $0x180000  }
0x4b: {  	[bflag:$0x0] =	sbarrier.arrive $0xFFFF  }
0x4c: {  	p0 =	sne.s32 s0, $0x0;
	_ =	strace $0x90000047  }
0x4d: {  	s0 =	sadd.s32 @!p0 $0x100000, s2;
	[bflag:$0x2] =	sbarrier.arrive $0xFFFF  }
0x4e: {  	[sflag:s0] =	ssyncadd.tile.s32 @!p0 $0x1;
	_ =	shalt  }
.Lfunc_end2:
_tile_overlayer_lowered:
.L_overlay_start_2:
0x4f: {  	(tag) =	ssettag $0x2  }
0x50: {  	s0 =	rddreg [dreg:$0x0];
	s2 =	stileid.u32  }
0x51: {  	s1 =	rddreg [dreg:$0x1];
	p0 =	sne.s32 s2, $0x0  }
0x52: {  	s3 =	rddreg [dreg:$0x2];
	[bflag:$0x3] =	sbarrier.arrive $0xFFFF;
	s2 =	simm.s32 @!p0 $0x1C03  }
0x53: {  	[timem:s3], [sflag:s2] =	dma.local @!p0 [hbm:s0], s1  }
0x54: {  	s0 =	simm.s32 @!p0 $0x3  }
0x55: {  	_ =	swait.ge @!p0 [sflag:s0], s1  }
0x56: {  	s1 =	ssub.s32 @!p0 $0x0, s1;
	[sflag:s0] =	ssyncset.done @!p0 $0x0  }
0x57: {  	[sflag:s0] =	ssyncadd.s32 @!p0 s1  }
0x58: {  	[bflag:$0x3] =	sbarrier.arrive $0xFFFF  }
0x59: {  	_ =	shalt  }

</sc_bundles>
